<compile_context>
chip_gen: v7x
topology: tpu7x:2x2x1
jax: 0.10.2.dev20260603
libtpu: 0.0.44.dev20260713+nightly
codegen_flags: <defaults>
</compile_context>

<pallas_src>
import functools

import jax
import jax.numpy as jnp
import numpy as np
from jax import lax
from jax.experimental import pallas as pl
from jax.experimental.pallas import tpu as pltpu
from jax.experimental.pallas import tpu_sc as plsc

NC, NS, LANES = 2, 16, 16
TILES = NC * NS
K = 80


def _edge_proj_body(ea_ref, wa_ref, wb_ref, ba_ref, bb_ref, o_ref):
    a = (jnp.dot(ea_ref[...], wa_ref[...], preferred_element_type=jnp.float32)
         + ba_ref[...])
    b = (jnp.dot(ea_ref[...], wb_ref[...], preferred_element_type=jnp.float32)
         + bb_ref[...])
    au = jax.lax.bitcast_convert_type(
        a.astype(jnp.bfloat16), jnp.uint16).astype(jnp.uint32)
    bu = jax.lax.bitcast_convert_type(
        b.astype(jnp.bfloat16), jnp.uint16).astype(jnp.uint32)
    o_ref[...] = jax.lax.bitcast_convert_type(au | (bu << 16), jnp.int32)


def _edge_proj(ea, wa, wb, ba_row, bb_row):
    Ep, DE = ea.shape
    H = wa.shape[1]
    BE = 5 * TILES * K
    assert Ep % BE == 0
    return pl.pallas_call(
        _edge_proj_body,
        grid=(Ep // BE,),
        in_specs=[
            pl.BlockSpec((BE, DE), lambda i: (i, 0)),
            pl.BlockSpec((DE, H), lambda i: (0, 0)),
            pl.BlockSpec((DE, H), lambda i: (0, 0)),
            pl.BlockSpec((1, H), lambda i: (0, 0)),
            pl.BlockSpec((1, H), lambda i: (0, 0)),
        ],
        out_specs=pl.BlockSpec((BE, H), lambda i: (i, 0)),
        out_shape=jax.ShapeDtypeStruct((Ep, H), jnp.int32),
        compiler_params=pltpu.CompilerParams(
            dimension_semantics=("parallel",)
        ),
    )(ea, wa, wb, ba_row, bb_row)


def _sc_agg(x, src, dst, e, zblk, n_chunks, n_pad):
    N, D = x.shape
    assert n_chunks % 2 == 1

    def body(x_hbm, src_hbm, dst_hbm, e_hbm, z_hbm, out_hbm,
             idx_s0, idx_d0, xj0, ev0, idx_s1, idx_d1, xj1, ev1,
             sg0, se0, sg1, se1, agg_sh):
        cid = lax.axis_index("c")
        sid = lax.axis_index("s")
        wid = sid * NC + cid
        zrows = n_pad // NS
        pltpu.sync_copy(z_hbm, agg_sh.at[pl.ds(sid * zrows, zrows)])
        plsc.subcore_barrier()

        base = wid * (n_chunks * K)
        bufs = ((idx_s0, idx_d0, xj0, ev0, sg0, se0),
                (idx_s1, idx_d1, xj1, ev1, sg1, se1))

        def start(j, b):
            idx_s, idx_d, xj, ev, sg, se = bufs[b]
            off = base + j * K
            pltpu.sync_copy(src_hbm.at[pl.ds(off, K)], idx_s)
            pltpu.sync_copy(dst_hbm.at[pl.ds(off, K)], idx_d)
            pltpu.async_copy(x_hbm.at[idx_s], xj, sg)
            pltpu.async_copy(e_hbm.at[pl.ds(off, K), :], ev, se)

        def finish(j, b):
            idx_s, idx_d, xj, ev, sg, se = bufs[b]
            off = base + j * K
            pltpu.make_async_copy(x_hbm.at[idx_s], xj, sg).wait()
            pltpu.make_async_copy(e_hbm.at[pl.ds(off, K), :], ev, se).wait()

            @plsc.parallel_loop(0, K, unroll=2)
            def _row(r):
                for g in range(D // (2 * LANES)):
                    eb = plsc.bitcast(ev[r, pl.ds(LANES * g, LANES)],
                                      jnp.bfloat16)
                    a, b = plsc.unpack(eb, format=plsc.PackFormat.INTERLEAVED)
                    ca = pl.ds(2 * LANES * g, LANES)
                    cb = pl.ds(2 * LANES * g + LANES, LANES)
                    xj[r, ca] = jnp.maximum(xj[r, ca] + a, 0.0)
                    xj[r, cb] = jnp.maximum(xj[r, cb] + b, 0.0)

            pltpu.sync_copy(xj, agg_sh.at[idx_d], add=True)

        start(0, 0)

        @pl.loop(0, n_chunks - 1, step=2)
        def _chunk(t):
            start(t + 1, 1)
            finish(t, 0)
            start(t + 2, 0)
            finish(t + 1, 1)

        finish(n_chunks - 1, 0)

        plsc.subcore_barrier()
        drows = ((N // NS) + 7) // 8 * 8
        last = N - (NS - 1) * drows

        @pl.when(sid < NS - 1)
        def _():
            pltpu.sync_copy(
                agg_sh.at[pl.ds(sid * drows, drows)],
                out_hbm.at[cid, pl.ds(sid * drows, drows), :],
            )

        @pl.when(sid == NS - 1)
        def _():
            pltpu.sync_copy(
                agg_sh.at[pl.ds((NS - 1) * drows, last)],
                out_hbm.at[cid, pl.ds((NS - 1) * drows, last), :],
            )

    mesh = plsc.VectorSubcoreMesh(core_axis_name="c", subcore_axis_name="s")
    kern = pl.kernel(
        body,
        out_type=jax.ShapeDtypeStruct((NC, N, D), jnp.float32),
        mesh=mesh,
        compiler_params=pltpu.CompilerParams(needs_layout_passes=False),
        scratch_types=[
            pltpu.VMEM((K,), jnp.int32),
            pltpu.VMEM((K,), jnp.int32),
            pltpu.VMEM((K, D), jnp.float32),
            pltpu.VMEM((K, D // 2), jnp.int32),
            pltpu.VMEM((K,), jnp.int32),
            pltpu.VMEM((K,), jnp.int32),
            pltpu.VMEM((K, D), jnp.float32),
            pltpu.VMEM((K, D // 2), jnp.int32),
            pltpu.SemaphoreType.DMA,
            pltpu.SemaphoreType.DMA,
            pltpu.SemaphoreType.DMA,
            pltpu.SemaphoreType.DMA,
            pltpu.VMEM_SHARED((n_pad, D), jnp.float32),
        ],
    )
    return kern(x, src, dst, e, zblk)


def _node_mlp_body(x_ref, p_ref, w_ref, b_ref, o_ref):
    s = x_ref[...] + p_ref[0] + p_ref[1]
    h = jnp.dot(s, w_ref[...], preferred_element_type=jnp.float32) + b_ref[...]
    o_ref[...] = jnp.maximum(h, 0.0)


def _node_mlp(x, partials, w_t, b_row):
    N, D = x.shape
    BN = 1000
    assert N % BN == 0
    return pl.pallas_call(
        _node_mlp_body,
        grid=(N // BN,),
        in_specs=[
            pl.BlockSpec((BN, D), lambda i: (i, 0)),
            pl.BlockSpec((NC, BN, D), lambda i: (0, i, 0)),
            pl.BlockSpec((D, D), lambda i: (0, 0)),
            pl.BlockSpec((1, D), lambda i: (0, 0)),
        ],
        out_specs=pl.BlockSpec((BN, D), lambda i: (i, 0)),
        out_shape=jax.ShapeDtypeStruct((N, D), jnp.float32),
        compiler_params=pltpu.CompilerParams(
            dimension_semantics=("parallel",)
        ),
    )(x, partials, w_t, b_row)


def kernel(x, edge_index, edge_attr, W_edge, b_edge, W_mlp, b_mlp):
    N, D = x.shape
    E = edge_index.shape[1]
    DE = edge_attr.shape[1]

    per_round = TILES * K
    assert E % per_round == 0
    n_chunks = E // per_round
    assert n_chunks % 2 == 1
    Ep = E

    src = edge_index[0]
    dst = edge_index[1]
    ea = edge_attr

    n_pad = ((N + 1 + 8 * NS - 1) // (8 * NS)) * (8 * NS)
    zblk = jnp.zeros((n_pad // NS, D), jnp.float32)

    w = np.arange(D // 2)
    cols_a = 32 * (w // 16) + (w % 16)
    cols_b = cols_a + 16
    wt = W_edge.T

    e32 = _edge_proj(ea, wt[:, cols_a], wt[:, cols_b],
                     b_edge[cols_a][None, :], b_edge[cols_b][None, :])
    partials = _sc_agg(x, src, dst, e32, zblk, n_chunks, n_pad)
    return _node_mlp(x, partials, W_mlp.T, b_mlp[None, :])

# --- scband reference (transcript-rebuilt; emitter-appended) ---
"""Pipeline reference for scband-ginwrapper-53257594471011 (READ-ONLY COPY).

The authoritative reference and input builder live on the scoring server;
editing this copy changes nothing except your own understanding.
"""

import jax, jax.numpy as jnp
import numpy as np

N, E, D, DE = 10000, 320000, 128, 16

def setup_inputs(seed: int = 0) -> dict:
    key = jax.random.key(seed)
    ks = jax.random.split(key, 7)
    x = jax.random.normal(ks[0], (N, D), dtype=jnp.float32)
    edge_index = jax.random.randint(ks[1], (2, E), 0, N, dtype=jnp.int32)
    edge_attr = jax.random.normal(ks[2], (E, DE), dtype=jnp.float32)
    # GINEConv internal edge projection: Linear(edge_dim=16 -> in_channels=128)
    W_edge = jax.random.normal(ks[3], (D, DE), dtype=jnp.float32) * (1.0 / np.sqrt(DE))
    b_edge = jnp.zeros((D,), dtype=jnp.float32)
    # Wrapper MLP: Linear(input_dim=128 -> hidden_dim=128) followed by ReLU
    W_mlp = jax.random.normal(ks[4], (D, D), dtype=jnp.float32) * (1.0 / np.sqrt(D))
    b_mlp = jnp.zeros((D,), dtype=jnp.float32)
    return {"x": x, "edge_index": edge_index, "edge_attr": edge_attr,
            "W_edge": W_edge, "b_edge": b_edge, "W_mlp": W_mlp, "b_mlp": b_mlp}

def reference(x, edge_index, edge_attr, W_edge, b_edge, W_mlp, b_mlp):
    src = edge_index[0]
    dst = edge_index[1]
    # project edge features to node feature dim (GINEConv lin)
    e = edge_attr @ W_edge.T + b_edge
    # message: ReLU(x_j + e_ij), gather source node features
    msg = jax.nn.relu(jnp.take(x, src, axis=0) + e)
    # sum-aggregate messages at destination nodes (scatter-add)
    agg = jax.ops.segment_sum(msg, dst, num_segments=N)
    # GIN update: nn((1 + eps) * x + agg), eps = 0
    h = (x + agg) @ W_mlp.T + b_mlp
    h = jax.nn.relu(h)   # ReLU inside the MLP Sequential
    out = jax.nn.relu(h) # .relu() in GINWrapper.forward
    return out

if __name__ == "__main__":
    import jax
    _d = setup_inputs()
    print(jax.jit(kernel)(*tuple(_d.values())))

</pallas_src>

<mosaic_0001>
#map = affine_map<(d0, d1) -> (0, 0)>
#map1 = affine_map<(d0, d1) -> (0)>
#map2 = affine_map<(d0, d1) -> (0, 0, 0)>
module attributes {stable_mosaic.version = 14 : i64} {
  func.func @body(%arg0: i32, %arg1: i32, %arg2: memref<10000x128xf32, #tpu.memory_space<hbm>>, %arg3: memref<320000xi32, #tpu.memory_space<hbm>>, %arg4: memref<320000xi32, #tpu.memory_space<hbm>>, %arg5: memref<320000x64xi32, #tpu.memory_space<hbm>>, %arg6: memref<632x128xf32, #tpu.memory_space<hbm>>, %arg7: memref<2x10000x128xf32, #tpu.memory_space<hbm>>, %arg8: memref<80xi32, #tpu.memory_space<vmem>>, %arg9: memref<80xi32, #tpu.memory_space<vmem>>, %arg10: memref<80x128xf32, #tpu.memory_space<vmem>>, %arg11: memref<80x64xi32, #tpu.memory_space<vmem>>, %arg12: memref<80xi32, #tpu.memory_space<vmem>>, %arg13: memref<80xi32, #tpu.memory_space<vmem>>, %arg14: memref<80x128xf32, #tpu.memory_space<vmem>>, %arg15: memref<80x64xi32, #tpu.memory_space<vmem>>, %arg16: memref<!tpu.dma_semaphore, #tpu.memory_space<semaphore_mem>>, %arg17: memref<!tpu.dma_semaphore, #tpu.memory_space<semaphore_mem>>, %arg18: memref<!tpu.dma_semaphore, #tpu.memory_space<semaphore_mem>>, %arg19: memref<!tpu.dma_semaphore, #tpu.memory_space<semaphore_mem>>, %arg20: memref<10112x128xf32, #tpu.memory_space<vmem_shared>>) attributes {dimension_semantics = [#tpu.dimension_semantics<core_parallel>, #tpu.dimension_semantics<subcore_parallel>], iteration_bounds = array<i64: 2, 16>, scalar_prefetch = 0 : i64, scratch_operands = 13 : i64, tpu.core_type = #tpu.core_type<sc_vector_subcore>, window_params = [{transform_indices = #map}, {transform_indices = #map1}, {transform_indices = #map1}, {transform_indices = #map}, {transform_indices = #map}, {transform_indices = #map2}]} {
    %mul3A = arith.constant 2 : i32
    %mul3A_0 = arith.muli %arg1, %mul3A : i32
    %add3A = arith.addi %mul3A_0, %arg0 : i32
    %mul3A_1 = arith.constant 632 : i32
    %mul3A_2 = arith.muli %arg1, %mul3A_1 : i32
    "tpu.region"() ({
      %run_scoped3A = tpu.sem_alloc : memref<!tpu.dma_semaphore, #tpu.memory_space<semaphore_mem>>
      %dma_start3A_34 = arith.constant 0 : i32
      %dma_start3A_35 = tpu.memref_slice %arg20[%mul3A_2, %dma_start3A_34] : memref<10112x128xf32, #tpu.memory_space<vmem_shared>> -> memref<632x128xf32, #tpu.memory_space<vmem_shared>>
      tpu.enqueue_dma source(%arg6 : memref<632x128xf32, #tpu.memory_space<hbm>>) target(%dma_start3A_35 : memref<632x128xf32, #tpu.memory_space<vmem_shared>>) target_semaphore(%run_scoped3A : memref<!tpu.dma_semaphore, #tpu.memory_space<semaphore_mem>>)
      %dma_wait3A_36 = arith.constant 0 : i32
      %dma_wait3A_37 = tpu.memref_slice %arg20[%mul3A_2, %dma_wait3A_36] : memref<10112x128xf32, #tpu.memory_space<vmem_shared>> -> memref<632x128xf32, #tpu.memory_space<vmem_shared>>
      tpu.wait_dma2 semaphore(%run_scoped3A : memref<!tpu.dma_semaphore, #tpu.memory_space<semaphore_mem>>) src(%arg6 : memref<632x128xf32, #tpu.memory_space<hbm>>) dst(%dma_wait3A_37 : memref<632x128xf32, #tpu.memory_space<vmem_shared>>)
      tpu.yield
    }) : () -> ()
    %barrier3A = arith.constant 0 : index
    tpu.barrier barrier_id(%barrier3A)
    %mul3A_3 = arith.constant 10000 : i32
    %mul3A_4 = arith.muli %add3A, %mul3A_3 : i32
    %add3A_5 = arith.constant 0 : i32
    %add3A_6 = arith.addi %mul3A_4, %add3A_5 : i32
    "tpu.region"() ({
      %run_scoped3A = tpu.sem_alloc : memref<!tpu.dma_semaphore, #tpu.memory_space<semaphore_mem>>
      %dma_start3A_34 = tpu.memref_slice %arg3[%add3A_6] : memref<320000xi32, #tpu.memory_space<hbm>> -> memref<80xi32, #tpu.memory_space<hbm>>
      %dma_start3A_35 = tpu.memref_slice %arg3[%add3A_6] : memref<320000xi32, #tpu.memory_space<hbm>> -> memref<80xi32, #tpu.memory_space<hbm>>
      tpu.enqueue_dma source(%dma_start3A_35 : memref<80xi32, #tpu.memory_space<hbm>>) target(%arg8 : memref<80xi32, #tpu.memory_space<vmem>>) target_semaphore(%run_scoped3A : memref<!tpu.dma_semaphore, #tpu.memory_space<semaphore_mem>>)
      %dma_wait3A_36 = tpu.memref_slice %arg3[%add3A_6] : memref<320000xi32, #tpu.memory_space<hbm>> -> memref<80xi32, #tpu.memory_space<hbm>>
      %dma_wait3A_37 = tpu.memref_slice %arg3[%add3A_6] : memref<320000xi32, #tpu.memory_space<hbm>> -> memref<80xi32, #tpu.memory_space<hbm>>
      tpu.wait_dma2 semaphore(%run_scoped3A : memref<!tpu.dma_semaphore, #tpu.memory_space<semaphore_mem>>) src(%dma_wait3A_37 : memref<80xi32, #tpu.memory_space<hbm>>) dst(%arg8 : memref<80xi32, #tpu.memory_space<vmem>>)
      tpu.yield
    }) : () -> ()
    "tpu.region"() ({
      %run_scoped3A = tpu.sem_alloc : memref<!tpu.dma_semaphore, #tpu.memory_space<semaphore_mem>>
      %dma_start3A_34 = tpu.memref_slice %arg4[%add3A_6] : memref<320000xi32, #tpu.memory_space<hbm>> -> memref<80xi32, #tpu.memory_space<hbm>>
      %dma_start3A_35 = tpu.memref_slice %arg4[%add3A_6] : memref<320000xi32, #tpu.memory_space<hbm>> -> memref<80xi32, #tpu.memory_space<hbm>>
      tpu.enqueue_dma source(%dma_start3A_35 : memref<80xi32, #tpu.memory_space<hbm>>) target(%arg9 : memref<80xi32, #tpu.memory_space<vmem>>) target_semaphore(%run_scoped3A : memref<!tpu.dma_semaphore, #tpu.memory_space<semaphore_mem>>)
      %dma_wait3A_36 = tpu.memref_slice %arg4[%add3A_6] : memref<320000xi32, #tpu.memory_space<hbm>> -> memref<80xi32, #tpu.memory_space<hbm>>
      %dma_wait3A_37 = tpu.memref_slice %arg4[%add3A_6] : memref<320000xi32, #tpu.memory_space<hbm>> -> memref<80xi32, #tpu.memory_space<hbm>>
      tpu.wait_dma2 semaphore(%run_scoped3A : memref<!tpu.dma_semaphore, #tpu.memory_space<semaphore_mem>>) src(%dma_wait3A_37 : memref<80xi32, #tpu.memory_space<hbm>>) dst(%arg9 : memref<80xi32, #tpu.memory_space<vmem>>)
      tpu.yield
    }) : () -> ()
    %dma_start3A = arith.constant 0 : i32
    %dma_start3A_7 = arith.constant 0 : i32
    %dma_start3A_8 = tpu.memref_slice %arg2[%dma_start3A, %dma_start3A_7] : memref<10000x128xf32, #tpu.memory_space<hbm>> -> memref<10000x128xf32, #tpu.memory_space<hbm>>
    tpu.enqueue_indirect_dma source(%dma_start3A_8 : memref<10000x128xf32, #tpu.memory_space<hbm>>) target(%arg10 : memref<80x128xf32, #tpu.memory_space<vmem>>) offsets(%arg8 : memref<80xi32, #tpu.memory_space<vmem>>) semaphore(%arg16 : memref<!tpu.dma_semaphore, #tpu.memory_space<semaphore_mem>>)
    %dma_start3A_9 = arith.constant 0 : i32
    %dma_start3A_10 = tpu.memref_slice %arg5[%add3A_6, %dma_start3A_9] : memref<320000x64xi32, #tpu.memory_space<hbm>> -> memref<80x64xi32, #tpu.memory_space<hbm>>
    %dma_start3A_11 = arith.constant 0 : i32
    %dma_start3A_12 = tpu.memref_slice %arg5[%add3A_6, %dma_start3A_11] : memref<320000x64xi32, #tpu.memory_space<hbm>> -> memref<80x64xi32, #tpu.memory_space<hbm>>
    tpu.enqueue_dma source(%dma_start3A_12 : memref<80x64xi32, #tpu.memory_space<hbm>>) target(%arg11 : memref<80x64xi32, #tpu.memory_space<vmem>>) target_semaphore(%arg17 : memref<!tpu.dma_semaphore, #tpu.memory_space<semaphore_mem>>)
    %scan3A = arith.constant 0 : i32
    %scan3A_13 = arith.constant 62 : i32
    %scan3A_14 = arith.addi %scan3A, %scan3A_13 : i32
    %scan3A_15 = arith.constant 1 : i32
    scf.for %scan3A_34 = %scan3A to %scan3A_14 step %scan3A_15  : i32 {
      %mul3A_35 = arith.constant 2 : i32
      %mul3A_36 = arith.muli %scan3A_34, %mul3A_35 : i32
      %add3A_37 = arith.constant 0 : i32
      %add3A_38 = arith.addi %add3A_37, %mul3A_36 : i32
      %add3A_39 = arith.constant 1 : i32
      %add3A_40 = arith.addi %add3A_38, %add3A_39 : i32
      %mul3A_41 = arith.constant 80 : i32
      %mul3A_42 = arith.muli %add3A_40, %mul3A_41 : i32
      %add3A_43 = arith.addi %mul3A_4, %mul3A_42 : i32
      "tpu.region"() ({
        %run_scoped3A = tpu.sem_alloc : memref<!tpu.dma_semaphore, #tpu.memory_space<semaphore_mem>>
        %dma_start3A_91 = tpu.memref_slice %arg3[%add3A_43] : memref<320000xi32, #tpu.memory_space<hbm>> -> memref<80xi32, #tpu.memory_space<hbm>>
        %dma_start3A_92 = tpu.memref_slice %arg3[%add3A_43] : memref<320000xi32, #tpu.memory_space<hbm>> -> memref<80xi32, #tpu.memory_space<hbm>>
        tpu.enqueue_dma source(%dma_start3A_92 : memref<80xi32, #tpu.memory_space<hbm>>) target(%arg12 : memref<80xi32, #tpu.memory_space<vmem>>) target_semaphore(%run_scoped3A : memref<!tpu.dma_semaphore, #tpu.memory_space<semaphore_mem>>)
        %dma_wait3A_93 = tpu.memref_slice %arg3[%add3A_43] : memref<320000xi32, #tpu.memory_space<hbm>> -> memref<80xi32, #tpu.memory_space<hbm>>
        %dma_wait3A_94 = tpu.memref_slice %arg3[%add3A_43] : memref<320000xi32, #tpu.memory_space<hbm>> -> memref<80xi32, #tpu.memory_space<hbm>>
        tpu.wait_dma2 semaphore(%run_scoped3A : memref<!tpu.dma_semaphore, #tpu.memory_space<semaphore_mem>>) src(%dma_wait3A_94 : memref<80xi32, #tpu.memory_space<hbm>>) dst(%arg12 : memref<80xi32, #tpu.memory_space<vmem>>)
        tpu.yield
      }) : () -> ()
      "tpu.region"() ({
        %run_scoped3A = tpu.sem_alloc : memref<!tpu.dma_semaphore, #tpu.memory_space<semaphore_mem>>
        %dma_start3A_91 = tpu.memref_slice %arg4[%add3A_43] : memref<320000xi32, #tpu.memory_space<hbm>> -> memref<80xi32, #tpu.memory_space<hbm>>
        %dma_start3A_92 = tpu.memref_slice %arg4[%add3A_43] : memref<320000xi32, #tpu.memory_space<hbm>> -> memref<80xi32, #tpu.memory_space<hbm>>
        tpu.enqueue_dma source(%dma_start3A_92 : memref<80xi32, #tpu.memory_space<hbm>>) target(%arg13 : memref<80xi32, #tpu.memory_space<vmem>>) target_semaphore(%run_scoped3A : memref<!tpu.dma_semaphore, #tpu.memory_space<semaphore_mem>>)
        %dma_wait3A_93 = tpu.memref_slice %arg4[%add3A_43] : memref<320000xi32, #tpu.memory_space<hbm>> -> memref<80xi32, #tpu.memory_space<hbm>>
        %dma_wait3A_94 = tpu.memref_slice %arg4[%add3A_43] : memref<320000xi32, #tpu.memory_space<hbm>> -> memref<80xi32, #tpu.memory_space<hbm>>
        tpu.wait_dma2 semaphore(%run_scoped3A : memref<!tpu.dma_semaphore, #tpu.memory_space<semaphore_mem>>) src(%dma_wait3A_94 : memref<80xi32, #tpu.memory_space<hbm>>) dst(%arg13 : memref<80xi32, #tpu.memory_space<vmem>>)
        tpu.yield
      }) : () -> ()
      %dma_start3A_44 = arith.constant 0 : i32
      %dma_start3A_45 = arith.constant 0 : i32
      %dma_start3A_46 = tpu.memref_slice %arg2[%dma_start3A_44, %dma_start3A_45] : memref<10000x128xf32, #tpu.memory_space<hbm>> -> memref<10000x128xf32, #tpu.memory_space<hbm>>
      tpu.enqueue_indirect_dma source(%dma_start3A_46 : memref<10000x128xf32, #tpu.memory_space<hbm>>) target(%arg14 : memref<80x128xf32, #tpu.memory_space<vmem>>) offsets(%arg12 : memref<80xi32, #tpu.memory_space<vmem>>) semaphore(%arg18 : memref<!tpu.dma_semaphore, #tpu.memory_space<semaphore_mem>>)
      %dma_start3A_47 = arith.constant 0 : i32
      %dma_start3A_48 = tpu.memref_slice %arg5[%add3A_43, %dma_start3A_47] : memref<320000x64xi32, #tpu.memory_space<hbm>> -> memref<80x64xi32, #tpu.memory_space<hbm>>
      %dma_start3A_49 = arith.constant 0 : i32
      %dma_start3A_50 = tpu.memref_slice %arg5[%add3A_43, %dma_start3A_49] : memref<320000x64xi32, #tpu.memory_space<hbm>> -> memref<80x64xi32, #tpu.memory_space<hbm>>
      tpu.enqueue_dma source(%dma_start3A_50 : memref<80x64xi32, #tpu.memory_space<hbm>>) target(%arg15 : memref<80x64xi32, #tpu.memory_space<vmem>>) target_semaphore(%arg19 : memref<!tpu.dma_semaphore, #tpu.memory_space<semaphore_mem>>)
      %mul3A_51 = arith.constant 80 : i32
      %mul3A_52 = arith.muli %add3A_38, %mul3A_51 : i32
      %add3A_53 = arith.addi %mul3A_4, %mul3A_52 : i32
      %dma_wait3A_54 = arith.constant 0 : i32
      %dma_wait3A_55 = arith.constant 0 : i32
      %dma_wait3A_56 = tpu.memref_slice %arg2[%dma_wait3A_54, %dma_wait3A_55] : memref<10000x128xf32, #tpu.memory_space<hbm>> -> memref<10000x128xf32, #tpu.memory_space<hbm>>
      tpu.wait_indirect_dma semaphore(%arg16 : memref<!tpu.dma_semaphore, #tpu.memory_space<semaphore_mem>>) src(%dma_wait3A_56 : memref<10000x128xf32, #tpu.memory_space<hbm>>) dst(%arg10 : memref<80x128xf32, #tpu.memory_space<vmem>>)
      %dma_wait3A_57 = arith.constant 0 : i32
      %dma_wait3A_58 = tpu.memref_slice %arg5[%add3A_53, %dma_wait3A_57] : memref<320000x64xi32, #tpu.memory_space<hbm>> -> memref<80x64xi32, #tpu.memory_space<hbm>>
      %dma_wait3A_59 = arith.constant 0 : i32
      %dma_wait3A_60 = tpu.memref_slice %arg5[%add3A_53, %dma_wait3A_59] : memref<320000x64xi32, #tpu.memory_space<hbm>> -> memref<80x64xi32, #tpu.memory_space<hbm>>
      tpu.wait_dma2 semaphore(%arg17 : memref<!tpu.dma_semaphore, #tpu.memory_space<semaphore_mem>>) src(%dma_wait3A_60 : memref<80x64xi32, #tpu.memory_space<hbm>>) dst(%arg11 : memref<80x64xi32, #tpu.memory_space<vmem>>)
      %parallel_loop3A_61 = arith.constant 0 : i32
      %parallel_loop3A_62 = arith.constant 80 : i32
      %parallel_loop3A_63 = arith.constant 1 : i32
      scf.for %parallel_loop3A_91 = %parallel_loop3A_61 to %parallel_loop3A_62 step %parallel_loop3A_63  : i32 {
        %parallel_loop3A_92 = arith.index_cast %parallel_loop3A_91 : i32 to index
        %parallel_loop3A_93 = arith.constant 0 : index
        %parallel_loop3A_94 = tpu.vector_load %arg11[%parallel_loop3A_92, %parallel_loop3A_93] {strides = array<i32>} : memref<80x64xi32, #tpu.memory_space<vmem>>, vector<16xi32>,
        %parallel_loop3A_95 = vector.bitcast %parallel_loop3A_94 : vector<16xi32> to vector<32xbf16>
        %parallel_loop3A_96 = tpu.unpack_subelements %parallel_loop3A_95, 0 {pack_format = #tpu.pack_format<interleaved>} : vector<32xbf16> -> vector<16xf32>
        %parallel_loop3A_97 = tpu.unpack_subelements %parallel_loop3A_95, 1 {pack_format = #tpu.pack_format<interleaved>} : vector<32xbf16> -> vector<16xf32>
        %parallel_loop3A_98 = arith.index_cast %parallel_loop3A_91 : i32 to index
        %parallel_loop3A_99 = arith.constant 0 : index
        %parallel_loop3A_100 = tpu.vector_load %arg10[%parallel_loop3A_98, %parallel_loop3A_99] {strides = array<i32>} : memref<80x128xf32, #tpu.memory_space<vmem>>, vector<16xf32>,
        %parallel_loop3A_101 = arith.addf %parallel_loop3A_100, %parallel_loop3A_96 : vector<16xf32>
        %parallel_loop3A_102 = arith.constant 0.000000e+00 : f32
        %parallel_loop3A_103 = vector.broadcast %parallel_loop3A_102 : f32 to vector<16xf32>
        %parallel_loop3A_104 = arith.maximumf %parallel_loop3A_101, %parallel_loop3A_103 : vector<16xf32>
        %parallel_loop3A_105 = arith.index_cast %parallel_loop3A_91 : i32 to index
        %parallel_loop3A_106 = arith.constant 0 : index
        %parallel_loop3A_107 = tpu.vector_load %arg10[%parallel_loop3A_105, %parallel_loop3A_106] {strides = array<i32>} : memref<80x128xf32, #tpu.memory_space<vmem>>, vector<16xf32>,
        tpu.vector_store %arg10[%parallel_loop3A_105, %parallel_loop3A_106], %parallel_loop3A_104 {strides = array<i32>} : memref<80x128xf32, #tpu.memory_space<vmem>>, vector<16xf32>,
        %parallel_loop3A_108 = arith.index_cast %parallel_loop3A_91 : i32 to index
        %parallel_loop3A_109 = arith.constant 16 : index
        %parallel_loop3A_110 = tpu.vector_load %arg10[%parallel_loop3A_108, %parallel_loop3A_109] {strides = array<i32>} : memref<80x128xf32, #tpu.memory_space<vmem>>, vector<16xf32>,
        %parallel_loop3A_111 = arith.addf %parallel_loop3A_110, %parallel_loop3A_97 : vector<16xf32>
        %parallel_loop3A_112 = arith.constant 0.000000e+00 : f32
        %parallel_loop3A_113 = vector.broadcast %parallel_loop3A_112 : f32 to vector<16xf32>
        %parallel_loop3A_114 = arith.maximumf %parallel_loop3A_111, %parallel_loop3A_113 : vector<16xf32>
        %parallel_loop3A_115 = arith.index_cast %parallel_loop3A_91 : i32 to index
        %parallel_loop3A_116 = arith.constant 16 : index
        %parallel_loop3A_117 = tpu.vector_load %arg10[%parallel_loop3A_115, %parallel_loop3A_116] {strides = array<i32>} : memref<80x128xf32, #tpu.memory_space<vmem>>, vector<16xf32>,
        tpu.vector_store %arg10[%parallel_loop3A_115, %parallel_loop3A_116], %parallel_loop3A_114 {strides = array<i32>} : memref<80x128xf32, #tpu.memory_space<vmem>>, vector<16xf32>,
        %parallel_loop3A_118 = arith.index_cast %parallel_loop3A_91 : i32 to index
        %parallel_loop3A_119 = arith.constant 16 : index
        %parallel_loop3A_120 = tpu.vector_load %arg11[%parallel_loop3A_118, %parallel_loop3A_119] {strides = array<i32>} : memref<80x64xi32, #tpu.memory_space<vmem>>, vector<16xi32>,
        %parallel_loop3A_121 = vector.bitcast %parallel_loop3A_120 : vector<16xi32> to vector<32xbf16>
        %parallel_loop3A_122 = tpu.unpack_subelements %parallel_loop3A_121, 0 {pack_format = #tpu.pack_format<interleaved>} : vector<32xbf16> -> vector<16xf32>
        %parallel_loop3A_123 = tpu.unpack_subelements %parallel_loop3A_121, 1 {pack_format = #tpu.pack_format<interleaved>} : vector<32xbf16> -> vector<16xf32>
        %parallel_loop3A_124 = arith.index_cast %parallel_loop3A_91 : i32 to index
        %parallel_loop3A_125 = arith.constant 32 : index
        %parallel_loop3A_126 = tpu.vector_load %arg10[%parallel_loop3A_124, %parallel_loop3A_125] {strides = array<i32>} : memref<80x128xf32, #tpu.memory_space<vmem>>, vector<16xf32>,
        %parallel_loop3A_127 = arith.addf %parallel_loop3A_126, %parallel_loop3A_122 : vector<16xf32>
        %parallel_loop3A_128 = arith.constant 0.000000e+00 : f32
        %parallel_loop3A_129 = vector.broadcast %parallel_loop3A_128 : f32 to vector<16xf32>
        %parallel_loop3A_130 = arith.maximumf %parallel_loop3A_127, %parallel_loop3A_129 : vector<16xf32>
        %parallel_loop3A_131 = arith.index_cast %parallel_loop3A_91 : i32 to index
        %parallel_loop3A_132 = arith.constant 32 : index
        %parallel_loop3A_133 = tpu.vector_load %arg10[%parallel_loop3A_131, %parallel_loop3A_132] {strides = array<i32>} : memref<80x128xf32, #tpu.memory_space<vmem>>, vector<16xf32>,
        tpu.vector_store %arg10[%parallel_loop3A_131, %parallel_loop3A_132], %parallel_loop3A_130 {strides = array<i32>} : memref<80x128xf32, #tpu.memory_space<vmem>>, vector<16xf32>,
        %parallel_loop3A_134 = arith.index_cast %parallel_loop3A_91 : i32 to index
        %parallel_loop3A_135 = arith.constant 48 : index
        %parallel_loop3A_136 = tpu.vector_load %arg10[%parallel_loop3A_134, %parallel_loop3A_135] {strides = array<i32>} : memref<80x128xf32, #tpu.memory_space<vmem>>, vector<16xf32>,
        %parallel_loop3A_137 = arith.addf %parallel_loop3A_136, %parallel_loop3A_123 : vector<16xf32>
        %parallel_loop3A_138 = arith.constant 0.000000e+00 : f32
        %parallel_loop3A_139 = vector.broadcast %parallel_loop3A_138 : f32 to vector<16xf32>
        %parallel_loop3A_140 = arith.maximumf %parallel_loop3A_137, %parallel_loop3A_139 : vector<16xf32>
        %parallel_loop3A_141 = arith.index_cast %parallel_loop3A_91 : i32 to index
        %parallel_loop3A_142 = arith.constant 48 : index
        %parallel_loop3A_143 = tpu.vector_load %arg10[%parallel_loop3A_141, %parallel_loop3A_142] {strides = array<i32>} : memref<80x128xf32, #tpu.memory_space<vmem>>, vector<16xf32>,
        tpu.vector_store %arg10[%parallel_loop3A_141, %parallel_loop3A_142], %parallel_loop3A_140 {strides = array<i32>} : memref<80x128xf32, #tpu.memory_space<vmem>>, vector<16xf32>,
        %parallel_loop3A_144 = arith.index_cast %parallel_loop3A_91 : i32 to index
        %parallel_loop3A_145 = arith.constant 32 : index
        %parallel_loop3A_146 = tpu.vector_load %arg11[%parallel_loop3A_144, %parallel_loop3A_145] {strides = array<i32>} : memref<80x64xi32, #tpu.memory_space<vmem>>, vector<16xi32>,
        %parallel_loop3A_147 = vector.bitcast %parallel_loop3A_146 : vector<16xi32> to vector<32xbf16>
        %parallel_loop3A_148 = tpu.unpack_subelements %parallel_loop3A_147, 0 {pack_format = #tpu.pack_format<interleaved>} : vector<32xbf16> -> vector<16xf32>
        %parallel_loop3A_149 = tpu.unpack_subelements %parallel_loop3A_147, 1 {pack_format = #tpu.pack_format<interleaved>} : vector<32xbf16> -> vector<16xf32>
        %parallel_loop3A_150 = arith.index_cast %parallel_loop3A_91 : i32 to index
        %parallel_loop3A_151 = arith.constant 64 : index
        %parallel_loop3A_152 = tpu.vector_load %arg10[%parallel_loop3A_150, %parallel_loop3A_151] {strides = array<i32>} : memref<80x128xf32, #tpu.memory_space<vmem>>, vector<16xf32>,
        %parallel_loop3A_153 = arith.addf %parallel_loop3A_152, %parallel_loop3A_148 : vector<16xf32>
        %parallel_loop3A_154 = arith.constant 0.000000e+00 : f32
        %parallel_loop3A_155 = vector.broadcast %parallel_loop3A_154 : f32 to vector<16xf32>
        %parallel_loop3A_156 = arith.maximumf %parallel_loop3A_153, %parallel_loop3A_155 : vector<16xf32>
        %parallel_loop3A_157 = arith.index_cast %parallel_loop3A_91 : i32 to index
        %parallel_loop3A_158 = arith.constant 64 : index
        %parallel_loop3A_159 = tpu.vector_load %arg10[%parallel_loop3A_157, %parallel_loop3A_158] {strides = array<i32>} : memref<80x128xf32, #tpu.memory_space<vmem>>, vector<16xf32>,
        tpu.vector_store %arg10[%parallel_loop3A_157, %parallel_loop3A_158], %parallel_loop3A_156 {strides = array<i32>} : memref<80x128xf32, #tpu.memory_space<vmem>>, vector<16xf32>,
        %parallel_loop3A_160 = arith.index_cast %parallel_loop3A_91 : i32 to index
        %parallel_loop3A_161 = arith.constant 80 : index
        %parallel_loop3A_162 = tpu.vector_load %arg10[%parallel_loop3A_160, %parallel_loop3A_161] {strides = array<i32>} : memref<80x128xf32, #tpu.memory_space<vmem>>, vector<16xf32>,
        %parallel_loop3A_163 = arith.addf %parallel_loop3A_162, %parallel_loop3A_149 : vector<16xf32>
        %parallel_loop3A_164 = arith.constant 0.000000e+00 : f32
        %parallel_loop3A_165 = vector.broadcast %parallel_loop3A_164 : f32 to vector<16xf32>
        %parallel_loop3A_166 = arith.maximumf %parallel_loop3A_163, %parallel_loop3A_165 : vector<16xf32>
        %parallel_loop3A_167 = arith.index_cast %parallel_loop3A_91 : i32 to index
        %parallel_loop3A_168 = arith.constant 80 : index
        %parallel_loop3A_169 = tpu.vector_load %arg10[%parallel_loop3A_167, %parallel_loop3A_168] {strides = array<i32>} : memref<80x128xf32, #tpu.memory_space<vmem>>, vector<16xf32>,
        tpu.vector_store %arg10[%parallel_loop3A_167, %parallel_loop3A_168], %parallel_loop3A_166 {strides = array<i32>} : memref<80x128xf32, #tpu.memory_space<vmem>>, vector<16xf32>,
        %parallel_loop3A_170 = arith.index_cast %parallel_loop3A_91 : i32 to index
        %parallel_loop3A_171 = arith.constant 48 : index
        %parallel_loop3A_172 = tpu.vector_load %arg11[%parallel_loop3A_170, %parallel_loop3A_171] {strides = array<i32>} : memref<80x64xi32, #tpu.memory_space<vmem>>, vector<16xi32>,
        %parallel_loop3A_173 = vector.bitcast %parallel_loop3A_172 : vector<16xi32> to vector<32xbf16>
        %parallel_loop3A_174 = tpu.unpack_subelements %parallel_loop3A_173, 0 {pack_format = #tpu.pack_format<interleaved>} : vector<32xbf16> -> vector<16xf32>
        %parallel_loop3A_175 = tpu.unpack_subelements %parallel_loop3A_173, 1 {pack_format = #tpu.pack_format<interleaved>} : vector<32xbf16> -> vector<16xf32>
        %parallel_loop3A_176 = arith.index_cast %parallel_loop3A_91 : i32 to index
        %parallel_loop3A_177 = arith.constant 96 : index
        %parallel_loop3A_178 = tpu.vector_load %arg10[%parallel_loop3A_176, %parallel_loop3A_177] {strides = array<i32>} : memref<80x128xf32, #tpu.memory_space<vmem>>, vector<16xf32>,
        %parallel_loop3A_179 = arith.addf %parallel_loop3A_178, %parallel_loop3A_174 : vector<16xf32>
        %parallel_loop3A_180 = arith.constant 0.000000e+00 : f32
        %parallel_loop3A_181 = vector.broadcast %parallel_loop3A_180 : f32 to vector<16xf32>
        %parallel_loop3A_182 = arith.maximumf %parallel_loop3A_179, %parallel_loop3A_181 : vector<16xf32>
        %parallel_loop3A_183 = arith.index_cast %parallel_loop3A_91 : i32 to index
        %parallel_loop3A_184 = arith.constant 96 : index
        %parallel_loop3A_185 = tpu.vector_load %arg10[%parallel_loop3A_183, %parallel_loop3A_184] {strides = array<i32>} : memref<80x128xf32, #tpu.memory_space<vmem>>, vector<16xf32>,
        tpu.vector_store %arg10[%parallel_loop3A_183, %parallel_loop3A_184], %parallel_loop3A_182 {strides = array<i32>} : memref<80x128xf32, #tpu.memory_space<vmem>>, vector<16xf32>,
        %parallel_loop3A_186 = arith.index_cast %parallel_loop3A_91 : i32 to index
        %parallel_loop3A_187 = arith.constant 112 : index
        %parallel_loop3A_188 = tpu.vector_load %arg10[%parallel_loop3A_186, %parallel_loop3A_187] {strides = array<i32>} : memref<80x128xf32, #tpu.memory_space<vmem>>, vector<16xf32>,
        %parallel_loop3A_189 = arith.addf %parallel_loop3A_188, %parallel_loop3A_175 : vector<16xf32>
        %parallel_loop3A_190 = arith.constant 0.000000e+00 : f32
        %parallel_loop3A_191 = vector.broadcast %parallel_loop3A_190 : f32 to vector<16xf32>
        %parallel_loop3A_192 = arith.maximumf %parallel_loop3A_189, %parallel_loop3A_191 : vector<16xf32>
        %parallel_loop3A_193 = arith.index_cast %parallel_loop3A_91 : i32 to index
        %parallel_loop3A_194 = arith.constant 112 : index
        %parallel_loop3A_195 = tpu.vector_load %arg10[%parallel_loop3A_193, %parallel_loop3A_194] {strides = array<i32>} : memref<80x128xf32, #tpu.memory_space<vmem>>, vector<16xf32>,
        tpu.vector_store %arg10[%parallel_loop3A_193, %parallel_loop3A_194], %parallel_loop3A_192 {strides = array<i32>} : memref<80x128xf32, #tpu.memory_space<vmem>>, vector<16xf32>,
      } {sc.loop_unroll_factor = 2 : i64, sc.parallel_access}
      "tpu.region"() ({
        %run_scoped3A = tpu.sem_alloc : memref<!tpu.dma_semaphore, #tpu.memory_space<semaphore_mem>>
        %dma_start3A_91 = arith.constant 0 : i32
        %dma_start3A_92 = arith.constant 0 : i32
        %dma_start3A_93 = tpu.memref_slice %arg20[%dma_start3A_91, %dma_start3A_92] : memref<10112x128xf32, #tpu.memory_space<vmem_shared>> -> memref<10112x128xf32, #tpu.memory_space<vmem_shared>>
        tpu.enqueue_indirect_dma source(%arg10 : memref<80x128xf32, #tpu.memory_space<vmem>>) target(%dma_start3A_93 : memref<10112x128xf32, #tpu.memory_space<vmem_shared>>) offsets(%arg9 : memref<80xi32, #tpu.memory_space<vmem>>) semaphore(%run_scoped3A : memref<!tpu.dma_semaphore, #tpu.memory_space<semaphore_mem>>) {add = true}
        %dma_wait3A_94 = arith.constant 0 : i32
        %dma_wait3A_95 = arith.constant 0 : i32
        %dma_wait3A_96 = tpu.memref_slice %arg20[%dma_wait3A_94, %dma_wait3A_95] : memref<10112x128xf32, #tpu.memory_space<vmem_shared>> -> memref<10112x128xf32, #tpu.memory_space<vmem_shared>>
        tpu.wait_indirect_dma semaphore(%run_scoped3A : memref<!tpu.dma_semaphore, #tpu.memory_space<semaphore_mem>>) src(%arg10 : memref<80x128xf32, #tpu.memory_space<vmem>>) dst(%dma_wait3A_96 : memref<10112x128xf32, #tpu.memory_space<vmem_shared>>)
        tpu.yield
      }) : () -> ()
      %add3A_64 = arith.constant 2 : i32
      %add3A_65 = arith.addi %add3A_38, %add3A_64 : i32
      %mul3A_66 = arith.constant 80 : i32
      %mul3A_67 = arith.muli %add3A_65, %mul3A_66 : i32
      %add3A_68 = arith.addi %mul3A_4, %mul3A_67 : i32
      "tpu.region"() ({
        %run_scoped3A = tpu.sem_alloc : memref<!tpu.dma_semaphore, #tpu.memory_space<semaphore_mem>>
        %dma_start3A_91 = tpu.memref_slice %arg3[%add3A_68] : memref<320000xi32, #tpu.memory_space<hbm>> -> memref<80xi32, #tpu.memory_space<hbm>>
        %dma_start3A_92 = tpu.memref_slice %arg3[%add3A_68] : memref<320000xi32, #tpu.memory_space<hbm>> -> memref<80xi32, #tpu.memory_space<hbm>>
        tpu.enqueue_dma source(%dma_start3A_92 : memref<80xi32, #tpu.memory_space<hbm>>) target(%arg8 : memref<80xi32, #tpu.memory_space<vmem>>) target_semaphore(%run_scoped3A : memref<!tpu.dma_semaphore, #tpu.memory_space<semaphore_mem>>)
        %dma_wait3A_93 = tpu.memref_slice %arg3[%add3A_68] : memref<320000xi32, #tpu.memory_space<hbm>> -> memref<80xi32, #tpu.memory_space<hbm>>
        %dma_wait3A_94 = tpu.memref_slice %arg3[%add3A_68] : memref<320000xi32, #tpu.memory_space<hbm>> -> memref<80xi32, #tpu.memory_space<hbm>>
        tpu.wait_dma2 semaphore(%run_scoped3A : memref<!tpu.dma_semaphore, #tpu.memory_space<semaphore_mem>>) src(%dma_wait3A_94 : memref<80xi32, #tpu.memory_space<hbm>>) dst(%arg8 : memref<80xi32, #tpu.memory_space<vmem>>)
        tpu.yield
      }) : () -> ()
      "tpu.region"() ({
        %run_scoped3A = tpu.sem_alloc : memref<!tpu.dma_semaphore, #tpu.memory_space<semaphore_mem>>
        %dma_start3A_91 = tpu.memref_slice %arg4[%add3A_68] : memref<320000xi32, #tpu.memory_space<hbm>> -> memref<80xi32, #tpu.memory_space<hbm>>
        %dma_start3A_92 = tpu.memref_slice %arg4[%add3A_68] : memref<320000xi32, #tpu.memory_space<hbm>> -> memref<80xi32, #tpu.memory_space<hbm>>
        tpu.enqueue_dma source(%dma_start3A_92 : memref<80xi32, #tpu.memory_space<hbm>>) target(%arg9 : memref<80xi32, #tpu.memory_space<vmem>>) target_semaphore(%run_scoped3A : memref<!tpu.dma_semaphore, #tpu.memory_space<semaphore_mem>>)
        %dma_wait3A_93 = tpu.memref_slice %arg4[%add3A_68] : memref<320000xi32, #tpu.memory_space<hbm>> -> memref<80xi32, #tpu.memory_space<hbm>>
        %dma_wait3A_94 = tpu.memref_slice %arg4[%add3A_68] : memref<320000xi32, #tpu.memory_space<hbm>> -> memref<80xi32, #tpu.memory_space<hbm>>
        tpu.wait_dma2 semaphore(%run_scoped3A : memref<!tpu.dma_semaphore, #tpu.memory_space<semaphore_mem>>) src(%dma_wait3A_94 : memref<80xi32, #tpu.memory_space<hbm>>) dst(%arg9 : memref<80xi32, #tpu.memory_space<vmem>>)
        tpu.yield
      }) : () -> ()
      %dma_start3A_69 = arith.constant 0 : i32
      %dma_start3A_70 = arith.constant 0 : i32
      %dma_start3A_71 = tpu.memref_slice %arg2[%dma_start3A_69, %dma_start3A_70] : memref<10000x128xf32, #tpu.memory_space<hbm>> -> memref<10000x128xf32, #tpu.memory_space<hbm>>
      tpu.enqueue_indirect_dma source(%dma_start3A_71 : memref<10000x128xf32, #tpu.memory_space<hbm>>) target(%arg10 : memref<80x128xf32, #tpu.memory_space<vmem>>) offsets(%arg8 : memref<80xi32, #tpu.memory_space<vmem>>) semaphore(%arg16 : memref<!tpu.dma_semaphore, #tpu.memory_space<semaphore_mem>>)
      %dma_start3A_72 = arith.constant 0 : i32
      %dma_start3A_73 = tpu.memref_slice %arg5[%add3A_68, %dma_start3A_72] : memref<320000x64xi32, #tpu.memory_space<hbm>> -> memref<80x64xi32, #tpu.memory_space<hbm>>
      %dma_start3A_74 = arith.constant 0 : i32
      %dma_start3A_75 = tpu.memref_slice %arg5[%add3A_68, %dma_start3A_74] : memref<320000x64xi32, #tpu.memory_space<hbm>> -> memref<80x64xi32, #tpu.memory_space<hbm>>
      tpu.enqueue_dma source(%dma_start3A_75 : memref<80x64xi32, #tpu.memory_space<hbm>>) target(%arg11 : memref<80x64xi32, #tpu.memory_space<vmem>>) target_semaphore(%arg17 : memref<!tpu.dma_semaphore, #tpu.memory_space<semaphore_mem>>)
      %add3A_76 = arith.constant 1 : i32
      %add3A_77 = arith.addi %add3A_38, %add3A_76 : i32
      %mul3A_78 = arith.constant 80 : i32
      %mul3A_79 = arith.muli %add3A_77, %mul3A_78 : i32
      %add3A_80 = arith.addi %mul3A_4, %mul3A_79 : i32
      %dma_wait3A_81 = arith.constant 0 : i32
      %dma_wait3A_82 = arith.constant 0 : i32
      %dma_wait3A_83 = tpu.memref_slice %arg2[%dma_wait3A_81, %dma_wait3A_82] : memref<10000x128xf32, #tpu.memory_space<hbm>> -> memref<10000x128xf32, #tpu.memory_space<hbm>>
      tpu.wait_indirect_dma semaphore(%arg18 : memref<!tpu.dma_semaphore, #tpu.memory_space<semaphore_mem>>) src(%dma_wait3A_83 : memref<10000x128xf32, #tpu.memory_space<hbm>>) dst(%arg14 : memref<80x128xf32, #tpu.memory_space<vmem>>)
      %dma_wait3A_84 = arith.constant 0 : i32
      %dma_wait3A_85 = tpu.memref_slice %arg5[%add3A_80, %dma_wait3A_84] : memref<320000x64xi32, #tpu.memory_space<hbm>> -> memref<80x64xi32, #tpu.memory_space<hbm>>
      %dma_wait3A_86 = arith.constant 0 : i32
      %dma_wait3A_87 = tpu.memref_slice %arg5[%add3A_80, %dma_wait3A_86] : memref<320000x64xi32, #tpu.memory_space<hbm>> -> memref<80x64xi32, #tpu.memory_space<hbm>>
      tpu.wait_dma2 semaphore(%arg19 : memref<!tpu.dma_semaphore, #tpu.memory_space<semaphore_mem>>) src(%dma_wait3A_87 : memref<80x64xi32, #tpu.memory_space<hbm>>) dst(%arg15 : memref<80x64xi32, #tpu.memory_space<vmem>>)
      %parallel_loop3A_88 = arith.constant 0 : i32
      %parallel_loop3A_89 = arith.constant 80 : i32
      %parallel_loop3A_90 = arith.constant 1 : i32
      scf.for %parallel_loop3A_91 = %parallel_loop3A_88 to %parallel_loop3A_89 step %parallel_loop3A_90  : i32 {
        %parallel_loop3A_92 = arith.index_cast %parallel_loop3A_91 : i32 to index
        %parallel_loop3A_93 = arith.constant 0 : index
        %parallel_loop3A_94 = tpu.vector_load %arg15[%parallel_loop3A_92, %parallel_loop3A_93] {strides = array<i32>} : memref<80x64xi32, #tpu.memory_space<vmem>>, vector<16xi32>,
        %parallel_loop3A_95 = vector.bitcast %parallel_loop3A_94 : vector<16xi32> to vector<32xbf16>
        %parallel_loop3A_96 = tpu.unpack_subelements %parallel_loop3A_95, 0 {pack_format = #tpu.pack_format<interleaved>} : vector<32xbf16> -> vector<16xf32>
        %parallel_loop3A_97 = tpu.unpack_subelements %parallel_loop3A_95, 1 {pack_format = #tpu.pack_format<interleaved>} : vector<32xbf16> -> vector<16xf32>
        %parallel_loop3A_98 = arith.index_cast %parallel_loop3A_91 : i32 to index
        %parallel_loop3A_99 = arith.constant 0 : index
        %parallel_loop3A_100 = tpu.vector_load %arg14[%parallel_loop3A_98, %parallel_loop3A_99] {strides = array<i32>} : memref<80x128xf32, #tpu.memory_space<vmem>>, vector<16xf32>,
        %parallel_loop3A_101 = arith.addf %parallel_loop3A_100, %parallel_loop3A_96 : vector<16xf32>
        %parallel_loop3A_102 = arith.constant 0.000000e+00 : f32
        %parallel_loop3A_103 = vector.broadcast %parallel_loop3A_102 : f32 to vector<16xf32>
        %parallel_loop3A_104 = arith.maximumf %parallel_loop3A_101, %parallel_loop3A_103 : vector<16xf32>
        %parallel_loop3A_105 = arith.index_cast %parallel_loop3A_91 : i32 to index
        %parallel_loop3A_106 = arith.constant 0 : index
        %parallel_loop3A_107 = tpu.vector_load %arg14[%parallel_loop3A_105, %parallel_loop3A_106] {strides = array<i32>} : memref<80x128xf32, #tpu.memory_space<vmem>>, vector<16xf32>,
        tpu.vector_store %arg14[%parallel_loop3A_105, %parallel_loop3A_106], %parallel_loop3A_104 {strides = array<i32>} : memref<80x128xf32, #tpu.memory_space<vmem>>, vector<16xf32>,
        %parallel_loop3A_108 = arith.index_cast %parallel_loop3A_91 : i32 to index
        %parallel_loop3A_109 = arith.constant 16 : index
        %parallel_loop3A_110 = tpu.vector_load %arg14[%parallel_loop3A_108, %parallel_loop3A_109] {strides = array<i32>} : memref<80x128xf32, #tpu.memory_space<vmem>>, vector<16xf32>,
        %parallel_loop3A_111 = arith.addf %parallel_loop3A_110, %parallel_loop3A_97 : vector<16xf32>
        %parallel_loop3A_112 = arith.constant 0.000000e+00 : f32
        %parallel_loop3A_113 = vector.broadcast %parallel_loop3A_112 : f32 to vector<16xf32>
        %parallel_loop3A_114 = arith.maximumf %parallel_loop3A_111, %parallel_loop3A_113 : vector<16xf32>
        %parallel_loop3A_115 = arith.index_cast %parallel_loop3A_91 : i32 to index
        %parallel_loop3A_116 = arith.constant 16 : index
        %parallel_loop3A_117 = tpu.vector_load %arg14[%parallel_loop3A_115, %parallel_loop3A_116] {strides = array<i32>} : memref<80x128xf32, #tpu.memory_space<vmem>>, vector<16xf32>,
        tpu.vector_store %arg14[%parallel_loop3A_115, %parallel_loop3A_116], %parallel_loop3A_114 {strides = array<i32>} : memref<80x128xf32, #tpu.memory_space<vmem>>, vector<16xf32>,
        %parallel_loop3A_118 = arith.index_cast %parallel_loop3A_91 : i32 to index
        %parallel_loop3A_119 = arith.constant 16 : index
        %parallel_loop3A_120 = tpu.vector_load %arg15[%parallel_loop3A_118, %parallel_loop3A_119] {strides = array<i32>} : memref<80x64xi32, #tpu.memory_space<vmem>>, vector<16xi32>,
        %parallel_loop3A_121 = vector.bitcast %parallel_loop3A_120 : vector<16xi32> to vector<32xbf16>
        %parallel_loop3A_122 = tpu.unpack_subelements %parallel_loop3A_121, 0 {pack_format = #tpu.pack_format<interleaved>} : vector<32xbf16> -> vector<16xf32>
        %parallel_loop3A_123 = tpu.unpack_subelements %parallel_loop3A_121, 1 {pack_format = #tpu.pack_format<interleaved>} : vector<32xbf16> -> vector<16xf32>
        %parallel_loop3A_124 = arith.index_cast %parallel_loop3A_91 : i32 to index
        %parallel_loop3A_125 = arith.constant 32 : index
        %parallel_loop3A_126 = tpu.vector_load %arg14[%parallel_loop3A_124, %parallel_loop3A_125] {strides = array<i32>} : memref<80x128xf32, #tpu.memory_space<vmem>>, vector<16xf32>,
        %parallel_loop3A_127 = arith.addf %parallel_loop3A_126, %parallel_loop3A_122 : vector<16xf32>
        %parallel_loop3A_128 = arith.constant 0.000000e+00 : f32
        %parallel_loop3A_129 = vector.broadcast %parallel_loop3A_128 : f32 to vector<16xf32>
        %parallel_loop3A_130 = arith.maximumf %parallel_loop3A_127, %parallel_loop3A_129 : vector<16xf32>
        %parallel_loop3A_131 = arith.index_cast %parallel_loop3A_91 : i32 to index
        %parallel_loop3A_132 = arith.constant 32 : index
        %parallel_loop3A_133 = tpu.vector_load %arg14[%parallel_loop3A_131, %parallel_loop3A_132] {strides = array<i32>} : memref<80x128xf32, #tpu.memory_space<vmem>>, vector<16xf32>,
        tpu.vector_store %arg14[%parallel_loop3A_131, %parallel_loop3A_132], %parallel_loop3A_130 {strides = array<i32>} : memref<80x128xf32, #tpu.memory_space<vmem>>, vector<16xf32>,
        %parallel_loop3A_134 = arith.index_cast %parallel_loop3A_91 : i32 to index
        %parallel_loop3A_135 = arith.constant 48 : index
        %parallel_loop3A_136 = tpu.vector_load %arg14[%parallel_loop3A_134, %parallel_loop3A_135] {strides = array<i32>} : memref<80x128xf32, #tpu.memory_space<vmem>>, vector<16xf32>,
        %parallel_loop3A_137 = arith.addf %parallel_loop3A_136, %parallel_loop3A_123 : vector<16xf32>
        %parallel_loop3A_138 = arith.constant 0.000000e+00 : f32
        %parallel_loop3A_139 = vector.broadcast %parallel_loop3A_138 : f32 to vector<16xf32>
        %parallel_loop3A_140 = arith.maximumf %parallel_loop3A_137, %parallel_loop3A_139 : vector<16xf32>
        %parallel_loop3A_141 = arith.index_cast %parallel_loop3A_91 : i32 to index
        %parallel_loop3A_142 = arith.constant 48 : index
        %parallel_loop3A_143 = tpu.vector_load %arg14[%parallel_loop3A_141, %parallel_loop3A_142] {strides = array<i32>} : memref<80x128xf32, #tpu.memory_space<vmem>>, vector<16xf32>,
        tpu.vector_store %arg14[%parallel_loop3A_141, %parallel_loop3A_142], %parallel_loop3A_140 {strides = array<i32>} : memref<80x128xf32, #tpu.memory_space<vmem>>, vector<16xf32>,
        %parallel_loop3A_144 = arith.index_cast %parallel_loop3A_91 : i32 to index
        %parallel_loop3A_145 = arith.constant 32 : index
        %parallel_loop3A_146 = tpu.vector_load %arg15[%parallel_loop3A_144, %parallel_loop3A_145] {strides = array<i32>} : memref<80x64xi32, #tpu.memory_space<vmem>>, vector<16xi32>,
        %parallel_loop3A_147 = vector.bitcast %parallel_loop3A_146 : vector<16xi32> to vector<32xbf16>
        %parallel_loop3A_148 = tpu.unpack_subelements %parallel_loop3A_147, 0 {pack_format = #tpu.pack_format<interleaved>} : vector<32xbf16> -> vector<16xf32>
        %parallel_loop3A_149 = tpu.unpack_subelements %parallel_loop3A_147, 1 {pack_format = #tpu.pack_format<interleaved>} : vector<32xbf16> -> vector<16xf32>
        %parallel_loop3A_150 = arith.index_cast %parallel_loop3A_91 : i32 to index
        %parallel_loop3A_151 = arith.constant 64 : index
        %parallel_loop3A_152 = tpu.vector_load %arg14[%parallel_loop3A_150, %parallel_loop3A_151] {strides = array<i32>} : memref<80x128xf32, #tpu.memory_space<vmem>>, vector<16xf32>,
        %parallel_loop3A_153 = arith.addf %parallel_loop3A_152, %parallel_loop3A_148 : vector<16xf32>
        %parallel_loop3A_154 = arith.constant 0.000000e+00 : f32
        %parallel_loop3A_155 = vector.broadcast %parallel_loop3A_154 : f32 to vector<16xf32>
        %parallel_loop3A_156 = arith.maximumf %parallel_loop3A_153, %parallel_loop3A_155 : vector<16xf32>
        %parallel_loop3A_157 = arith.index_cast %parallel_loop3A_91 : i32 to index
        %parallel_loop3A_158 = arith.constant 64 : index
        %parallel_loop3A_159 = tpu.vector_load %arg14[%parallel_loop3A_157, %parallel_loop3A_158] {strides = array<i32>} : memref<80x128xf32, #tpu.memory_space<vmem>>, vector<16xf32>,
        tpu.vector_store %arg14[%parallel_loop3A_157, %parallel_loop3A_158], %parallel_loop3A_156 {strides = array<i32>} : memref<80x128xf32, #tpu.memory_space<vmem>>, vector<16xf32>,
        %parallel_loop3A_160 = arith.index_cast %parallel_loop3A_91 : i32 to index
        %parallel_loop3A_161 = arith.constant 80 : index
        %parallel_loop3A_162 = tpu.vector_load %arg14[%parallel_loop3A_160, %parallel_loop3A_161] {strides = array<i32>} : memref<80x128xf32, #tpu.memory_space<vmem>>, vector<16xf32>,
        %parallel_loop3A_163 = arith.addf %parallel_loop3A_162, %parallel_loop3A_149 : vector<16xf32>
        %parallel_loop3A_164 = arith.constant 0.000000e+00 : f32
        %parallel_loop3A_165 = vector.broadcast %parallel_loop3A_164 : f32 to vector<16xf32>
        %parallel_loop3A_166 = arith.maximumf %parallel_loop3A_163, %parallel_loop3A_165 : vector<16xf32>
        %parallel_loop3A_167 = arith.index_cast %parallel_loop3A_91 : i32 to index
        %parallel_loop3A_168 = arith.constant 80 : index
        %parallel_loop3A_169 = tpu.vector_load %arg14[%parallel_loop3A_167, %parallel_loop3A_168] {strides = array<i32>} : memref<80x128xf32, #tpu.memory_space<vmem>>, vector<16xf32>,
        tpu.vector_store %arg14[%parallel_loop3A_167, %parallel_loop3A_168], %parallel_loop3A_166 {strides = array<i32>} : memref<80x128xf32, #tpu.memory_space<vmem>>, vector<16xf32>,
        %parallel_loop3A_170 = arith.index_cast %parallel_loop3A_91 : i32 to index
        %parallel_loop3A_171 = arith.constant 48 : index
        %parallel_loop3A_172 = tpu.vector_load %arg15[%parallel_loop3A_170, %parallel_loop3A_171] {strides = array<i32>} : memref<80x64xi32, #tpu.memory_space<vmem>>, vector<16xi32>,
        %parallel_loop3A_173 = vector.bitcast %parallel_loop3A_172 : vector<16xi32> to vector<32xbf16>
        %parallel_loop3A_174 = tpu.unpack_subelements %parallel_loop3A_173, 0 {pack_format = #tpu.pack_format<interleaved>} : vector<32xbf16> -> vector<16xf32>
        %parallel_loop3A_175 = tpu.unpack_subelements %parallel_loop3A_173, 1 {pack_format = #tpu.pack_format<interleaved>} : vector<32xbf16> -> vector<16xf32>
        %parallel_loop3A_176 = arith.index_cast %parallel_loop3A_91 : i32 to index
        %parallel_loop3A_177 = arith.constant 96 : index
        %parallel_loop3A_178 = tpu.vector_load %arg14[%parallel_loop3A_176, %parallel_loop3A_177] {strides = array<i32>} : memref<80x128xf32, #tpu.memory_space<vmem>>, vector<16xf32>,
        %parallel_loop3A_179 = arith.addf %parallel_loop3A_178, %parallel_loop3A_174 : vector<16xf32>
        %parallel_loop3A_180 = arith.constant 0.000000e+00 : f32
        %parallel_loop3A_181 = vector.broadcast %parallel_loop3A_180 : f32 to vector<16xf32>
        %parallel_loop3A_182 = arith.maximumf %parallel_loop3A_179, %parallel_loop3A_181 : vector<16xf32>
        %parallel_loop3A_183 = arith.index_cast %parallel_loop3A_91 : i32 to index
        %parallel_loop3A_184 = arith.constant 96 : index
        %parallel_loop3A_185 = tpu.vector_load %arg14[%parallel_loop3A_183, %parallel_loop3A_184] {strides = array<i32>} : memref<80x128xf32, #tpu.memory_space<vmem>>, vector<16xf32>,
        tpu.vector_store %arg14[%parallel_loop3A_183, %parallel_loop3A_184], %parallel_loop3A_182 {strides = array<i32>} : memref<80x128xf32, #tpu.memory_space<vmem>>, vector<16xf32>,
        %parallel_loop3A_186 = arith.index_cast %parallel_loop3A_91 : i32 to index
        %parallel_loop3A_187 = arith.constant 112 : index
        %parallel_loop3A_188 = tpu.vector_load %arg14[%parallel_loop3A_186, %parallel_loop3A_187] {strides = array<i32>} : memref<80x128xf32, #tpu.memory_space<vmem>>, vector<16xf32>,
        %parallel_loop3A_189 = arith.addf %parallel_loop3A_188, %parallel_loop3A_175 : vector<16xf32>
        %parallel_loop3A_190 = arith.constant 0.000000e+00 : f32
        %parallel_loop3A_191 = vector.broadcast %parallel_loop3A_190 : f32 to vector<16xf32>
        %parallel_loop3A_192 = arith.maximumf %parallel_loop3A_189, %parallel_loop3A_191 : vector<16xf32>
        %parallel_loop3A_193 = arith.index_cast %parallel_loop3A_91 : i32 to index
        %parallel_loop3A_194 = arith.constant 112 : index
        %parallel_loop3A_195 = tpu.vector_load %arg14[%parallel_loop3A_193, %parallel_loop3A_194] {strides = array<i32>} : memref<80x128xf32, #tpu.memory_space<vmem>>, vector<16xf32>,
        tpu.vector_store %arg14[%parallel_loop3A_193, %parallel_loop3A_194], %parallel_loop3A_192 {strides = array<i32>} : memref<80x128xf32, #tpu.memory_space<vmem>>, vector<16xf32>,
      } {sc.loop_unroll_factor = 2 : i64, sc.parallel_access}
      "tpu.region"() ({
        %run_scoped3A = tpu.sem_alloc : memref<!tpu.dma_semaphore, #tpu.memory_space<semaphore_mem>>
        %dma_start3A_91 = arith.constant 0 : i32
        %dma_start3A_92 = arith.constant 0 : i32
        %dma_start3A_93 = tpu.memref_slice %arg20[%dma_start3A_91, %dma_start3A_92] : memref<10112x128xf32, #tpu.memory_space<vmem_shared>> -> memref<10112x128xf32, #tpu.memory_space<vmem_shared>>
        tpu.enqueue_indirect_dma source(%arg14 : memref<80x128xf32, #tpu.memory_space<vmem>>) target(%dma_start3A_93 : memref<10112x128xf32, #tpu.memory_space<vmem_shared>>) offsets(%arg13 : memref<80xi32, #tpu.memory_space<vmem>>) semaphore(%run_scoped3A : memref<!tpu.dma_semaphore, #tpu.memory_space<semaphore_mem>>) {add = true}
        %dma_wait3A_94 = arith.constant 0 : i32
        %dma_wait3A_95 = arith.constant 0 : i32
        %dma_wait3A_96 = tpu.memref_slice %arg20[%dma_wait3A_94, %dma_wait3A_95] : memref<10112x128xf32, #tpu.memory_space<vmem_shared>> -> memref<10112x128xf32, #tpu.memory_space<vmem_shared>>
        tpu.wait_indirect_dma semaphore(%run_scoped3A : memref<!tpu.dma_semaphore, #tpu.memory_space<semaphore_mem>>) src(%arg14 : memref<80x128xf32, #tpu.memory_space<vmem>>) dst(%dma_wait3A_96 : memref<10112x128xf32, #tpu.memory_space<vmem_shared>>)
        tpu.yield
      }) : () -> ()
    }
    %scan3A_16 = arith.constant 62 : i32
    %add3A_17 = arith.constant 9920 : i32
    %add3A_18 = arith.addi %mul3A_4, %add3A_17 : i32
    %dma_wait3A = arith.constant 0 : i32
    %dma_wait3A_19 = arith.constant 0 : i32
    %dma_wait3A_20 = tpu.memref_slice %arg2[%dma_wait3A, %dma_wait3A_19] : memref<10000x128xf32, #tpu.memory_space<hbm>> -> memref<10000x128xf32, #tpu.memory_space<hbm>>
    tpu.wait_indirect_dma semaphore(%arg16 : memref<!tpu.dma_semaphore, #tpu.memory_space<semaphore_mem>>) src(%dma_wait3A_20 : memref<10000x128xf32, #tpu.memory_space<hbm>>) dst(%arg10 : memref<80x128xf32, #tpu.memory_space<vmem>>)
    %dma_wait3A_21 = arith.constant 0 : i32
    %dma_wait3A_22 = tpu.memref_slice %arg5[%add3A_18, %dma_wait3A_21] : memref<320000x64xi32, #tpu.memory_space<hbm>> -> memref<80x64xi32, #tpu.memory_space<hbm>>
    %dma_wait3A_23 = arith.constant 0 : i32
    %dma_wait3A_24 = tpu.memref_slice %arg5[%add3A_18, %dma_wait3A_23] : memref<320000x64xi32, #tpu.memory_space<hbm>> -> memref<80x64xi32, #tpu.memory_space<hbm>>
    tpu.wait_dma2 semaphore(%arg17 : memref<!tpu.dma_semaphore, #tpu.memory_space<semaphore_mem>>) src(%dma_wait3A_24 : memref<80x64xi32, #tpu.memory_space<hbm>>) dst(%arg11 : memref<80x64xi32, #tpu.memory_space<vmem>>)
    %parallel_loop3A = arith.constant 0 : i32
    %parallel_loop3A_25 = arith.constant 80 : i32
    %parallel_loop3A_26 = arith.constant 1 : i32
    scf.for %parallel_loop3A_34 = %parallel_loop3A to %parallel_loop3A_25 step %parallel_loop3A_26  : i32 {
      %parallel_loop3A_35 = arith.index_cast %parallel_loop3A_34 : i32 to index
      %parallel_loop3A_36 = arith.constant 0 : index
      %parallel_loop3A_37 = tpu.vector_load %arg11[%parallel_loop3A_35, %parallel_loop3A_36] {strides = array<i32>} : memref<80x64xi32, #tpu.memory_space<vmem>>, vector<16xi32>,
      %parallel_loop3A_38 = vector.bitcast %parallel_loop3A_37 : vector<16xi32> to vector<32xbf16>
      %parallel_loop3A_39 = tpu.unpack_subelements %parallel_loop3A_38, 0 {pack_format = #tpu.pack_format<interleaved>} : vector<32xbf16> -> vector<16xf32>
      %parallel_loop3A_40 = tpu.unpack_subelements %parallel_loop3A_38, 1 {pack_format = #tpu.pack_format<interleaved>} : vector<32xbf16> -> vector<16xf32>
      %parallel_loop3A_41 = arith.index_cast %parallel_loop3A_34 : i32 to index
      %parallel_loop3A_42 = arith.constant 0 : index
      %parallel_loop3A_43 = tpu.vector_load %arg10[%parallel_loop3A_41, %parallel_loop3A_42] {strides = array<i32>} : memref<80x128xf32, #tpu.memory_space<vmem>>, vector<16xf32>,
      %parallel_loop3A_44 = arith.addf %parallel_loop3A_43, %parallel_loop3A_39 : vector<16xf32>
      %parallel_loop3A_45 = arith.constant 0.000000e+00 : f32
      %parallel_loop3A_46 = vector.broadcast %parallel_loop3A_45 : f32 to vector<16xf32>
      %parallel_loop3A_47 = arith.maximumf %parallel_loop3A_44, %parallel_loop3A_46 : vector<16xf32>
      %parallel_loop3A_48 = arith.index_cast %parallel_loop3A_34 : i32 to index
      %parallel_loop3A_49 = arith.constant 0 : index
      %parallel_loop3A_50 = tpu.vector_load %arg10[%parallel_loop3A_48, %parallel_loop3A_49] {strides = array<i32>} : memref<80x128xf32, #tpu.memory_space<vmem>>, vector<16xf32>,
      tpu.vector_store %arg10[%parallel_loop3A_48, %parallel_loop3A_49], %parallel_loop3A_47 {strides = array<i32>} : memref<80x128xf32, #tpu.memory_space<vmem>>, vector<16xf32>,
      %parallel_loop3A_51 = arith.index_cast %parallel_loop3A_34 : i32 to index
      %parallel_loop3A_52 = arith.constant 16 : index
      %parallel_loop3A_53 = tpu.vector_load %arg10[%parallel_loop3A_51, %parallel_loop3A_52] {strides = array<i32>} : memref<80x128xf32, #tpu.memory_space<vmem>>, vector<16xf32>,
      %parallel_loop3A_54 = arith.addf %parallel_loop3A_53, %parallel_loop3A_40 : vector<16xf32>
      %parallel_loop3A_55 = arith.constant 0.000000e+00 : f32
      %parallel_loop3A_56 = vector.broadcast %parallel_loop3A_55 : f32 to vector<16xf32>
      %parallel_loop3A_57 = arith.maximumf %parallel_loop3A_54, %parallel_loop3A_56 : vector<16xf32>
      %parallel_loop3A_58 = arith.index_cast %parallel_loop3A_34 : i32 to index
      %parallel_loop3A_59 = arith.constant 16 : index
      %parallel_loop3A_60 = tpu.vector_load %arg10[%parallel_loop3A_58, %parallel_loop3A_59] {strides = array<i32>} : memref<80x128xf32, #tpu.memory_space<vmem>>, vector<16xf32>,
      tpu.vector_store %arg10[%parallel_loop3A_58, %parallel_loop3A_59], %parallel_loop3A_57 {strides = array<i32>} : memref<80x128xf32, #tpu.memory_space<vmem>>, vector<16xf32>,
      %parallel_loop3A_61 = arith.index_cast %parallel_loop3A_34 : i32 to index
      %parallel_loop3A_62 = arith.constant 16 : index
      %parallel_loop3A_63 = tpu.vector_load %arg11[%parallel_loop3A_61, %parallel_loop3A_62] {strides = array<i32>} : memref<80x64xi32, #tpu.memory_space<vmem>>, vector<16xi32>,
      %parallel_loop3A_64 = vector.bitcast %parallel_loop3A_63 : vector<16xi32> to vector<32xbf16>
      %parallel_loop3A_65 = tpu.unpack_subelements %parallel_loop3A_64, 0 {pack_format = #tpu.pack_format<interleaved>} : vector<32xbf16> -> vector<16xf32>
      %parallel_loop3A_66 = tpu.unpack_subelements %parallel_loop3A_64, 1 {pack_format = #tpu.pack_format<interleaved>} : vector<32xbf16> -> vector<16xf32>
      %parallel_loop3A_67 = arith.index_cast %parallel_loop3A_34 : i32 to index
      %parallel_loop3A_68 = arith.constant 32 : index
      %parallel_loop3A_69 = tpu.vector_load %arg10[%parallel_loop3A_67, %parallel_loop3A_68] {strides = array<i32>} : memref<80x128xf32, #tpu.memory_space<vmem>>, vector<16xf32>,
      %parallel_loop3A_70 = arith.addf %parallel_loop3A_69, %parallel_loop3A_65 : vector<16xf32>
      %parallel_loop3A_71 = arith.constant 0.000000e+00 : f32
      %parallel_loop3A_72 = vector.broadcast %parallel_loop3A_71 : f32 to vector<16xf32>
      %parallel_loop3A_73 = arith.maximumf %parallel_loop3A_70, %parallel_loop3A_72 : vector<16xf32>
      %parallel_loop3A_74 = arith.index_cast %parallel_loop3A_34 : i32 to index
      %parallel_loop3A_75 = arith.constant 32 : index
      %parallel_loop3A_76 = tpu.vector_load %arg10[%parallel_loop3A_74, %parallel_loop3A_75] {strides = array<i32>} : memref<80x128xf32, #tpu.memory_space<vmem>>, vector<16xf32>,
      tpu.vector_store %arg10[%parallel_loop3A_74, %parallel_loop3A_75], %parallel_loop3A_73 {strides = array<i32>} : memref<80x128xf32, #tpu.memory_space<vmem>>, vector<16xf32>,
      %parallel_loop3A_77 = arith.index_cast %parallel_loop3A_34 : i32 to index
      %parallel_loop3A_78 = arith.constant 48 : index
      %parallel_loop3A_79 = tpu.vector_load %arg10[%parallel_loop3A_77, %parallel_loop3A_78] {strides = array<i32>} : memref<80x128xf32, #tpu.memory_space<vmem>>, vector<16xf32>,
      %parallel_loop3A_80 = arith.addf %parallel_loop3A_79, %parallel_loop3A_66 : vector<16xf32>
      %parallel_loop3A_81 = arith.constant 0.000000e+00 : f32
      %parallel_loop3A_82 = vector.broadcast %parallel_loop3A_81 : f32 to vector<16xf32>
      %parallel_loop3A_83 = arith.maximumf %parallel_loop3A_80, %parallel_loop3A_82 : vector<16xf32>
      %parallel_loop3A_84 = arith.index_cast %parallel_loop3A_34 : i32 to index
      %parallel_loop3A_85 = arith.constant 48 : index
      %parallel_loop3A_86 = tpu.vector_load %arg10[%parallel_loop3A_84, %parallel_loop3A_85] {strides = array<i32>} : memref<80x128xf32, #tpu.memory_space<vmem>>, vector<16xf32>,
      tpu.vector_store %arg10[%parallel_loop3A_84, %parallel_loop3A_85], %parallel_loop3A_83 {strides = array<i32>} : memref<80x128xf32, #tpu.memory_space<vmem>>, vector<16xf32>,
      %parallel_loop3A_87 = arith.index_cast %parallel_loop3A_34 : i32 to index
      %parallel_loop3A_88 = arith.constant 32 : index
      %parallel_loop3A_89 = tpu.vector_load %arg11[%parallel_loop3A_87, %parallel_loop3A_88] {strides = array<i32>} : memref<80x64xi32, #tpu.memory_space<vmem>>, vector<16xi32>,
      %parallel_loop3A_90 = vector.bitcast %parallel_loop3A_89 : vector<16xi32> to vector<32xbf16>
      %parallel_loop3A_91 = tpu.unpack_subelements %parallel_loop3A_90, 0 {pack_format = #tpu.pack_format<interleaved>} : vector<32xbf16> -> vector<16xf32>
      %parallel_loop3A_92 = tpu.unpack_subelements %parallel_loop3A_90, 1 {pack_format = #tpu.pack_format<interleaved>} : vector<32xbf16> -> vector<16xf32>
      %parallel_loop3A_93 = arith.index_cast %parallel_loop3A_34 : i32 to index
      %parallel_loop3A_94 = arith.constant 64 : index
      %parallel_loop3A_95 = tpu.vector_load %arg10[%parallel_loop3A_93, %parallel_loop3A_94] {strides = array<i32>} : memref<80x128xf32, #tpu.memory_space<vmem>>, vector<16xf32>,
      %parallel_loop3A_96 = arith.addf %parallel_loop3A_95, %parallel_loop3A_91 : vector<16xf32>
      %parallel_loop3A_97 = arith.constant 0.000000e+00 : f32
      %parallel_loop3A_98 = vector.broadcast %parallel_loop3A_97 : f32 to vector<16xf32>
      %parallel_loop3A_99 = arith.maximumf %parallel_loop3A_96, %parallel_loop3A_98 : vector<16xf32>
      %parallel_loop3A_100 = arith.index_cast %parallel_loop3A_34 : i32 to index
      %parallel_loop3A_101 = arith.constant 64 : index
      %parallel_loop3A_102 = tpu.vector_load %arg10[%parallel_loop3A_100, %parallel_loop3A_101] {strides = array<i32>} : memref<80x128xf32, #tpu.memory_space<vmem>>, vector<16xf32>,
      tpu.vector_store %arg10[%parallel_loop3A_100, %parallel_loop3A_101], %parallel_loop3A_99 {strides = array<i32>} : memref<80x128xf32, #tpu.memory_space<vmem>>, vector<16xf32>,
      %parallel_loop3A_103 = arith.index_cast %parallel_loop3A_34 : i32 to index
      %parallel_loop3A_104 = arith.constant 80 : index
      %parallel_loop3A_105 = tpu.vector_load %arg10[%parallel_loop3A_103, %parallel_loop3A_104] {strides = array<i32>} : memref<80x128xf32, #tpu.memory_space<vmem>>, vector<16xf32>,
      %parallel_loop3A_106 = arith.addf %parallel_loop3A_105, %parallel_loop3A_92 : vector<16xf32>
      %parallel_loop3A_107 = arith.constant 0.000000e+00 : f32
      %parallel_loop3A_108 = vector.broadcast %parallel_loop3A_107 : f32 to vector<16xf32>
      %parallel_loop3A_109 = arith.maximumf %parallel_loop3A_106, %parallel_loop3A_108 : vector<16xf32>
      %parallel_loop3A_110 = arith.index_cast %parallel_loop3A_34 : i32 to index
      %parallel_loop3A_111 = arith.constant 80 : index
      %parallel_loop3A_112 = tpu.vector_load %arg10[%parallel_loop3A_110, %parallel_loop3A_111] {strides = array<i32>} : memref<80x128xf32, #tpu.memory_space<vmem>>, vector<16xf32>,
      tpu.vector_store %arg10[%parallel_loop3A_110, %parallel_loop3A_111], %parallel_loop3A_109 {strides = array<i32>} : memref<80x128xf32, #tpu.memory_space<vmem>>, vector<16xf32>,
      %parallel_loop3A_113 = arith.index_cast %parallel_loop3A_34 : i32 to index
      %parallel_loop3A_114 = arith.constant 48 : index
      %parallel_loop3A_115 = tpu.vector_load %arg11[%parallel_loop3A_113, %parallel_loop3A_114] {strides = array<i32>} : memref<80x64xi32, #tpu.memory_space<vmem>>, vector<16xi32>,
      %parallel_loop3A_116 = vector.bitcast %parallel_loop3A_115 : vector<16xi32> to vector<32xbf16>
      %parallel_loop3A_117 = tpu.unpack_subelements %parallel_loop3A_116, 0 {pack_format = #tpu.pack_format<interleaved>} : vector<32xbf16> -> vector<16xf32>
      %parallel_loop3A_118 = tpu.unpack_subelements %parallel_loop3A_116, 1 {pack_format = #tpu.pack_format<interleaved>} : vector<32xbf16> -> vector<16xf32>
      %parallel_loop3A_119 = arith.index_cast %parallel_loop3A_34 : i32 to index
      %parallel_loop3A_120 = arith.constant 96 : index
      %parallel_loop3A_121 = tpu.vector_load %arg10[%parallel_loop3A_119, %parallel_loop3A_120] {strides = array<i32>} : memref<80x128xf32, #tpu.memory_space<vmem>>, vector<16xf32>,
      %parallel_loop3A_122 = arith.addf %parallel_loop3A_121, %parallel_loop3A_117 : vector<16xf32>
      %parallel_loop3A_123 = arith.constant 0.000000e+00 : f32
      %parallel_loop3A_124 = vector.broadcast %parallel_loop3A_123 : f32 to vector<16xf32>
      %parallel_loop3A_125 = arith.maximumf %parallel_loop3A_122, %parallel_loop3A_124 : vector<16xf32>
      %parallel_loop3A_126 = arith.index_cast %parallel_loop3A_34 : i32 to index
      %parallel_loop3A_127 = arith.constant 96 : index
      %parallel_loop3A_128 = tpu.vector_load %arg10[%parallel_loop3A_126, %parallel_loop3A_127] {strides = array<i32>} : memref<80x128xf32, #tpu.memory_space<vmem>>, vector<16xf32>,
      tpu.vector_store %arg10[%parallel_loop3A_126, %parallel_loop3A_127], %parallel_loop3A_125 {strides = array<i32>} : memref<80x128xf32, #tpu.memory_space<vmem>>, vector<16xf32>,
      %parallel_loop3A_129 = arith.index_cast %parallel_loop3A_34 : i32 to index
      %parallel_loop3A_130 = arith.constant 112 : index
      %parallel_loop3A_131 = tpu.vector_load %arg10[%parallel_loop3A_129, %parallel_loop3A_130] {strides = array<i32>} : memref<80x128xf32, #tpu.memory_space<vmem>>, vector<16xf32>,
      %parallel_loop3A_132 = arith.addf %parallel_loop3A_131, %parallel_loop3A_118 : vector<16xf32>
      %parallel_loop3A_133 = arith.constant 0.000000e+00 : f32
      %parallel_loop3A_134 = vector.broadcast %parallel_loop3A_133 : f32 to vector<16xf32>
      %parallel_loop3A_135 = arith.maximumf %parallel_loop3A_132, %parallel_loop3A_134 : vector<16xf32>
      %parallel_loop3A_136 = arith.index_cast %parallel_loop3A_34 : i32 to index
      %parallel_loop3A_137 = arith.constant 112 : index
      %parallel_loop3A_138 = tpu.vector_load %arg10[%parallel_loop3A_136, %parallel_loop3A_137] {strides = array<i32>} : memref<80x128xf32, #tpu.memory_space<vmem>>, vector<16xf32>,
      tpu.vector_store %arg10[%parallel_loop3A_136, %parallel_loop3A_137], %parallel_loop3A_135 {strides = array<i32>} : memref<80x128xf32, #tpu.memory_space<vmem>>, vector<16xf32>,
    } {sc.loop_unroll_factor = 2 : i64, sc.parallel_access}
    "tpu.region"() ({
      %run_scoped3A = tpu.sem_alloc : memref<!tpu.dma_semaphore, #tpu.memory_space<semaphore_mem>>
      %dma_start3A_34 = arith.constant 0 : i32
      %dma_start3A_35 = arith.constant 0 : i32
      %dma_start3A_36 = tpu.memref_slice %arg20[%dma_start3A_34, %dma_start3A_35] : memref<10112x128xf32, #tpu.memory_space<vmem_shared>> -> memref<10112x128xf32, #tpu.memory_space<vmem_shared>>
      tpu.enqueue_indirect_dma source(%arg10 : memref<80x128xf32, #tpu.memory_space<vmem>>) target(%dma_start3A_36 : memref<10112x128xf32, #tpu.memory_space<vmem_shared>>) offsets(%arg9 : memref<80xi32, #tpu.memory_space<vmem>>) semaphore(%run_scoped3A : memref<!tpu.dma_semaphore, #tpu.memory_space<semaphore_mem>>) {add = true}
      %dma_wait3A_37 = arith.constant 0 : i32
      %dma_wait3A_38 = arith.constant 0 : i32
      %dma_wait3A_39 = tpu.memref_slice %arg20[%dma_wait3A_37, %dma_wait3A_38] : memref<10112x128xf32, #tpu.memory_space<vmem_shared>> -> memref<10112x128xf32, #tpu.memory_space<vmem_shared>>
      tpu.wait_indirect_dma semaphore(%run_scoped3A : memref<!tpu.dma_semaphore, #tpu.memory_space<semaphore_mem>>) src(%arg10 : memref<80x128xf32, #tpu.memory_space<vmem>>) dst(%dma_wait3A_39 : memref<10112x128xf32, #tpu.memory_space<vmem_shared>>)
      tpu.yield
    }) : () -> ()
    %barrier3A_27 = arith.constant 0 : index
    tpu.barrier barrier_id(%barrier3A_27)
    %lt3A = arith.constant 15 : i32
    %lt3A_28 = arith.cmpi slt, %arg1, %lt3A : i32
    %convert_element_type3A = arith.extui %lt3A_28 : i1 to i32
    %cond3A = arith.constant 0 : i32
    %cond3A_29 = arith.cmpi ne, %convert_element_type3A, %cond3A : i32
    scf.if %cond3A_29 {
      %mul3A_34 = arith.constant 632 : i32
      %mul3A_35 = arith.muli %arg1, %mul3A_34 : i32
      %mul3A_36 = arith.constant 632 : i32
      %mul3A_37 = arith.muli %arg1, %mul3A_36 : i32
      "tpu.region"() ({
        %run_scoped3A = tpu.sem_alloc : memref<!tpu.dma_semaphore, #tpu.memory_space<semaphore_mem>>
        %dma_start3A_38 = arith.constant 0 : i32
        %dma_start3A_39 = tpu.memref_slice %arg7[%arg0, %mul3A_37, %dma_start3A_38] : memref<2x10000x128xf32, #tpu.memory_space<hbm>> -> memref<1x632x128xf32, #tpu.memory_space<hbm>>
        %dma_start3A_40 = tpu.memref_squeeze %dma_start3A_39 : memref<1x632x128xf32, #tpu.memory_space<hbm>> -> memref<632x128xf32, #tpu.memory_space<hbm>>
        %dma_start3A_41 = arith.constant 0 : i32
        %dma_start3A_42 = tpu.memref_slice %arg20[%mul3A_35, %dma_start3A_41] : memref<10112x128xf32, #tpu.memory_space<vmem_shared>> -> memref<632x128xf32, #tpu.memory_space<vmem_shared>>
        tpu.enqueue_dma source(%dma_start3A_42 : memref<632x128xf32, #tpu.memory_space<vmem_shared>>) target(%dma_start3A_40 : memref<632x128xf32, #tpu.memory_space<hbm>>) target_semaphore(%run_scoped3A : memref<!tpu.dma_semaphore, #tpu.memory_space<semaphore_mem>>)
        %dma_wait3A_43 = arith.constant 0 : i32
        %dma_wait3A_44 = tpu.memref_slice %arg7[%arg0, %mul3A_37, %dma_wait3A_43] : memref<2x10000x128xf32, #tpu.memory_space<hbm>> -> memref<1x632x128xf32, #tpu.memory_space<hbm>>
        %dma_wait3A_45 = tpu.memref_squeeze %dma_wait3A_44 : memref<1x632x128xf32, #tpu.memory_space<hbm>> -> memref<632x128xf32, #tpu.memory_space<hbm>>
        %dma_wait3A_46 = arith.constant 0 : i32
        %dma_wait3A_47 = tpu.memref_slice %arg20[%mul3A_35, %dma_wait3A_46] : memref<10112x128xf32, #tpu.memory_space<vmem_shared>> -> memref<632x128xf32, #tpu.memory_space<vmem_shared>>
        tpu.wait_dma2 semaphore(%run_scoped3A : memref<!tpu.dma_semaphore, #tpu.memory_space<semaphore_mem>>) src(%dma_wait3A_47 : memref<632x128xf32, #tpu.memory_space<vmem_shared>>) dst(%dma_wait3A_45 : memref<632x128xf32, #tpu.memory_space<hbm>>)
        tpu.yield
      }) : () -> ()
    } else {
    }
    %eq3A = arith.constant 15 : i32
    %eq3A_30 = arith.cmpi eq, %arg1, %eq3A : i32
    %convert_element_type3A_31 = arith.extui %eq3A_30 : i1 to i32
    %cond3A_32 = arith.constant 0 : i32
    %cond3A_33 = arith.cmpi ne, %convert_element_type3A_31, %cond3A_32 : i32
    scf.if %cond3A_33 {
      "tpu.region"() ({
        %run_scoped3A = tpu.sem_alloc : memref<!tpu.dma_semaphore, #tpu.memory_space<semaphore_mem>>
        %dma_start3A_34 = arith.constant 9480 : i32
        %dma_start3A_35 = arith.constant 0 : i32
        %dma_start3A_36 = tpu.memref_slice %arg7[%arg0, %dma_start3A_34, %dma_start3A_35] : memref<2x10000x128xf32, #tpu.memory_space<hbm>> -> memref<1x520x128xf32, #tpu.memory_space<hbm>>
        %dma_start3A_37 = tpu.memref_squeeze %dma_start3A_36 : memref<1x520x128xf32, #tpu.memory_space<hbm>> -> memref<520x128xf32, #tpu.memory_space<hbm>>
        %dma_start3A_38 = arith.constant 9480 : i32
        %dma_start3A_39 = arith.constant 0 : i32
        %dma_start3A_40 = tpu.memref_slice %arg20[%dma_start3A_38, %dma_start3A_39] : memref<10112x128xf32, #tpu.memory_space<vmem_shared>> -> memref<520x128xf32, #tpu.memory_space<vmem_shared>>
        tpu.enqueue_dma source(%dma_start3A_40 : memref<520x128xf32, #tpu.memory_space<vmem_shared>>) target(%dma_start3A_37 : memref<520x128xf32, #tpu.memory_space<hbm>>) target_semaphore(%run_scoped3A : memref<!tpu.dma_semaphore, #tpu.memory_space<semaphore_mem>>)
        %dma_wait3A_41 = arith.constant 9480 : i32
        %dma_wait3A_42 = arith.constant 0 : i32
        %dma_wait3A_43 = tpu.memref_slice %arg7[%arg0, %dma_wait3A_41, %dma_wait3A_42] : memref<2x10000x128xf32, #tpu.memory_space<hbm>> -> memref<1x520x128xf32, #tpu.memory_space<hbm>>
        %dma_wait3A_44 = tpu.memref_squeeze %dma_wait3A_43 : memref<1x520x128xf32, #tpu.memory_space<hbm>> -> memref<520x128xf32, #tpu.memory_space<hbm>>
        %dma_wait3A_45 = arith.constant 9480 : i32
        %dma_wait3A_46 = arith.constant 0 : i32
        %dma_wait3A_47 = tpu.memref_slice %arg20[%dma_wait3A_45, %dma_wait3A_46] : memref<10112x128xf32, #tpu.memory_space<vmem_shared>> -> memref<520x128xf32, #tpu.memory_space<vmem_shared>>
        tpu.wait_dma2 semaphore(%run_scoped3A : memref<!tpu.dma_semaphore, #tpu.memory_space<semaphore_mem>>) src(%dma_wait3A_47 : memref<520x128xf32, #tpu.memory_space<vmem_shared>>) dst(%dma_wait3A_44 : memref<520x128xf32, #tpu.memory_space<hbm>>)
        tpu.yield
      }) : () -> ()
    } else {
    }
    return
  }
}

module attributes {stable_mosaic.version = 14 : i64} {
  func.func @_edge_proj_body(%arg0: i32, %arg1: memref<12800x16xf32, #tpu.memory_space<vmem>>, %arg2: memref<16x64xf32, #tpu.memory_space<vmem>>, %arg3: memref<16x64xf32, #tpu.memory_space<vmem>>, %arg4: memref<1x64xf32, #tpu.memory_space<vmem>>, %arg5: memref<1x64xf32, #tpu.memory_space<vmem>>, %arg6: memref<12800x64xi32, #tpu.memory_space<vmem>>) attributes {dimension_semantics = [#tpu.dimension_semantics<parallel>], iteration_bounds = array<i64: 25>, scalar_prefetch = 0 : i64, scratch_operands = 0 : i64, tpu.core_type = #tpu.core_type<tc>, window_params = [{transform_indices = @transform_0, window_bounds = array<i64: 12800, 16>}, {pipeline_mode = #tpu.pipeline_mode<synchronous>, transform_indices = @transform_1, window_bounds = array<i64: 16, 64>}, {pipeline_mode = #tpu.pipeline_mode<synchronous>, transform_indices = @transform_2, window_bounds = array<i64: 16, 64>}, {pipeline_mode = #tpu.pipeline_mode<synchronous>, transform_indices = @transform_3, window_bounds = array<i64: 1, 64>}, {pipeline_mode = #tpu.pipeline_mode<synchronous>, transform_indices = @transform_4, window_bounds = array<i64: 1, 64>}, {transform_indices = @transform_5, window_bounds = array<i64: 12800, 64>}]} {
    %get3A = arith.constant 0 : index
    %get3A_0 = arith.constant 0 : index
    %get3A_1 = vector.load %arg1[%get3A, %get3A_0] : memref<12800x16xf32, #tpu.memory_space<vmem>>, vector<12800x16xf32>
    %get3A_2 = arith.constant 0 : index
    %get3A_3 = arith.constant 0 : index
    %get3A_4 = vector.load %arg2[%get3A_2, %get3A_3] : memref<16x64xf32, #tpu.memory_space<vmem>>, vector<16x64xf32>
    %dot_general3A = arith.constant dense<0.000000e+00> : vector<12800x64xf32>
    %dot_general3A_5 = tpu.matmul %get3A_1, %get3A_4, %dot_general3A {dimension_numbers = #tpu.dot_dimension_numbers<[1], [0], [0], [1], [0, 0, 1, 1], [], []>, transpose_lhs_hint = false} : vector<12800x16xf32>, vector<16x64xf32>, vector<12800x64xf32> -> vector<12800x64xf32>
    %get3A_6 = arith.constant 0 : index
    %get3A_7 = arith.constant 0 : index
    %get3A_8 = vector.load %arg4[%get3A_6, %get3A_7] : memref<1x64xf32, #tpu.memory_space<vmem>>, vector<1x64xf32>
    %add3A = vector.broadcast %get3A_8 : vector<1x64xf32> to vector<12800x64xf32>
    %add3A_9 = arith.addf %dot_general3A_5, %add3A : vector<12800x64xf32>
    %get3A_10 = arith.constant 0 : index
    %get3A_11 = arith.constant 0 : index
    %get3A_12 = vector.load %arg1[%get3A_10, %get3A_11] : memref<12800x16xf32, #tpu.memory_space<vmem>>, vector<12800x16xf32>
    %get3A_13 = arith.constant 0 : index
    %get3A_14 = arith.constant 0 : index
    %get3A_15 = vector.load %arg3[%get3A_13, %get3A_14] : memref<16x64xf32, #tpu.memory_space<vmem>>, vector<16x64xf32>
    %dot_general3A_16 = arith.constant dense<0.000000e+00> : vector<12800x64xf32>
    %dot_general3A_17 = tpu.matmul %get3A_12, %get3A_15, %dot_general3A_16 {dimension_numbers = #tpu.dot_dimension_numbers<[1], [0], [0], [1], [0, 0, 1, 1], [], []>, transpose_lhs_hint = false} : vector<12800x16xf32>, vector<16x64xf32>, vector<12800x64xf32> -> vector<12800x64xf32>
    %get3A_18 = arith.constant 0 : index
    %get3A_19 = arith.constant 0 : index
    %get3A_20 = vector.load %arg5[%get3A_18, %get3A_19] : memref<1x64xf32, #tpu.memory_space<vmem>>, vector<1x64xf32>
    %add3A_21 = vector.broadcast %get3A_20 : vector<1x64xf32> to vector<12800x64xf32>
    %add3A_22 = arith.addf %dot_general3A_17, %add3A_21 : vector<12800x64xf32>
    %convert_element_type3A = arith.truncf %add3A_9 : vector<12800x64xf32> to vector<12800x64xbf16>
    %bitcast_convert_type3A = tpu.bitcast %convert_element_type3A : vector<12800x64xbf16> -> vector<12800x64xi16>
    %convert_element_type3A_23 = arith.extui %bitcast_convert_type3A : vector<12800x64xi16> to vector<12800x64xi32>
    %convert_element_type3A_24 = arith.truncf %add3A_22 : vector<12800x64xf32> to vector<12800x64xbf16>
    %bitcast_convert_type3A_25 = tpu.bitcast %convert_element_type3A_24 : vector<12800x64xbf16> -> vector<12800x64xi16>
    %convert_element_type3A_26 = arith.extui %bitcast_convert_type3A_25 : vector<12800x64xi16> to vector<12800x64xi32>
    %shift_left3A = arith.constant 16 : i32
    %shift_left3A_27 = vector.broadcast %shift_left3A : i32 to vector<12800x64xi32>
    %shift_left3A_28 = arith.shli %convert_element_type3A_26, %shift_left3A_27 : vector<12800x64xi32>
    %or3A = arith.ori %convert_element_type3A_23, %shift_left3A_28 : vector<12800x64xi32>
    %bitcast_convert_type3A_29 = tpu.bitcast %or3A : vector<12800x64xi32> -> vector<12800x64xi32>
    %swap3A = arith.constant 0 : index
    %swap3A_30 = arith.constant 0 : index
    %swap3A_31 = vector.load %arg6[%swap3A, %swap3A_30] : memref<12800x64xi32, #tpu.memory_space<vmem>>, vector<12800x64xi32>
    tpu.vector_store %arg6[%swap3A, %swap3A_30], %bitcast_convert_type3A_29 {strides = array<i32>} : memref<12800x64xi32, #tpu.memory_space<vmem>>, vector<12800x64xi32>,
    return
  }
  func.func @transform_0(%arg0: i32) -> (i32, i32) {
    %c0_i32 = arith.constant 0 : i32
    %c0_i32_0 = arith.constant 0 : i32
    return %arg0, %c0_i32 : i32, i32
  }
  func.func @transform_1(%arg0: i32) -> (i32, i32) {
    %c0_i32 = arith.constant 0 : i32
    %c0_i32_0 = arith.constant 0 : i32
    %c0_i32_1 = arith.constant 0 : i32
    return %c0_i32, %c0_i32_0 : i32, i32
  }
  func.func @transform_2(%arg0: i32) -> (i32, i32) {
    %c0_i32 = arith.constant 0 : i32
    %c0_i32_0 = arith.constant 0 : i32
    %c0_i32_1 = arith.constant 0 : i32
    return %c0_i32, %c0_i32_0 : i32, i32
  }
  func.func @transform_3(%arg0: i32) -> (i32, i32) {
    %c0_i32 = arith.constant 0 : i32
    %c0_i32_0 = arith.constant 0 : i32
    %c0_i32_1 = arith.constant 0 : i32
    return %c0_i32, %c0_i32_0 : i32, i32
  }
  func.func @transform_4(%arg0: i32) -> (i32, i32) {
    %c0_i32 = arith.constant 0 : i32
    %c0_i32_0 = arith.constant 0 : i32
    %c0_i32_1 = arith.constant 0 : i32
    return %c0_i32, %c0_i32_0 : i32, i32
  }
  func.func @transform_5(%arg0: i32) -> (i32, i32) {
    %c0_i32 = arith.constant 0 : i32
    %c0_i32_0 = arith.constant 0 : i32
    return %arg0, %c0_i32 : i32, i32
  }
}

module attributes {stable_mosaic.version = 14 : i64} {
  func.func @_node_mlp_body(%arg0: i32, %arg1: memref<1000x128xf32, #tpu.memory_space<vmem>>, %arg2: memref<2x1000x128xf32, #tpu.memory_space<vmem>>, %arg3: memref<128x128xf32, #tpu.memory_space<vmem>>, %arg4: memref<1x128xf32, #tpu.memory_space<vmem>>, %arg5: memref<1000x128xf32, #tpu.memory_space<vmem>>) attributes {dimension_semantics = [#tpu.dimension_semantics<parallel>], iteration_bounds = array<i64: 10>, scalar_prefetch = 0 : i64, scratch_operands = 0 : i64, tpu.core_type = #tpu.core_type<tc>, window_params = [{transform_indices = @transform_0, window_bounds = array<i64: 1000, 128>}, {transform_indices = @transform_1, window_bounds = array<i64: 2, 1000, 128>}, {pipeline_mode = #tpu.pipeline_mode<synchronous>, transform_indices = @transform_2, window_bounds = array<i64: 128, 128>}, {pipeline_mode = #tpu.pipeline_mode<synchronous>, transform_indices = @transform_3, window_bounds = array<i64: 1, 128>}, {transform_indices = @transform_4, window_bounds = array<i64: 1000, 128>}]} {
    %get3A = arith.constant 0 : index
    %get3A_0 = arith.constant 0 : index
    %get3A_1 = vector.load %arg1[%get3A, %get3A_0] : memref<1000x128xf32, #tpu.memory_space<vmem>>, vector<1000x128xf32>
    %get3A_2 = arith.constant 0 : index
    %get3A_3 = arith.constant 0 : index
    %get3A_4 = arith.constant 0 : index
    %get3A_5 = vector.load %arg2[%get3A_2, %get3A_3, %get3A_4] : memref<2x1000x128xf32, #tpu.memory_space<vmem>>, vector<1x1000x128xf32>
    %get3A_6 = vector.shape_cast %get3A_5 : vector<1x1000x128xf32> to vector<1000x128xf32>
    %add3A = arith.addf %get3A_1, %get3A_6 : vector<1000x128xf32>
    %get3A_7 = arith.constant 1 : index
    %get3A_8 = arith.constant 0 : index
    %get3A_9 = arith.constant 0 : index
    %get3A_10 = vector.load %arg2[%get3A_7, %get3A_8, %get3A_9] : memref<2x1000x128xf32, #tpu.memory_space<vmem>>, vector<1x1000x128xf32>
    %get3A_11 = vector.shape_cast %get3A_10 : vector<1x1000x128xf32> to vector<1000x128xf32>
    %add3A_12 = arith.addf %add3A, %get3A_11 : vector<1000x128xf32>
    %get3A_13 = arith.constant 0 : index
    %get3A_14 = arith.constant 0 : index
    %get3A_15 = vector.load %arg3[%get3A_13, %get3A_14] : memref<128x128xf32, #tpu.memory_space<vmem>>, vector<128x128xf32>
    %dot_general3A = arith.constant dense<0.000000e+00> : vector<1000x128xf32>
    %dot_general3A_16 = tpu.matmul %add3A_12, %get3A_15, %dot_general3A {dimension_numbers = #tpu.dot_dimension_numbers<[1], [0], [0], [1], [0, 0, 1, 1], [], []>, transpose_lhs_hint = false} : vector<1000x128xf32>, vector<128x128xf32>, vector<1000x128xf32> -> vector<1000x128xf32>
    %get3A_17 = arith.constant 0 : index
    %get3A_18 = arith.constant 0 : index
    %get3A_19 = vector.load %arg4[%get3A_17, %get3A_18] : memref<1x128xf32, #tpu.memory_space<vmem>>, vector<1x128xf32>
    %add3A_20 = vector.broadcast %get3A_19 : vector<1x128xf32> to vector<1000x128xf32>
    %add3A_21 = arith.addf %dot_general3A_16, %add3A_20 : vector<1000x128xf32>
    %max3A = arith.constant 0.000000e+00 : f32
    %max3A_22 = vector.broadcast %max3A : f32 to vector<1000x128xf32>
    %max3A_23 = arith.maximumf %add3A_21, %max3A_22 : vector<1000x128xf32>
    %swap3A = arith.constant 0 : index
    %swap3A_24 = arith.constant 0 : index
    %swap3A_25 = vector.load %arg5[%swap3A, %swap3A_24] : memref<1000x128xf32, #tpu.memory_space<vmem>>, vector<1000x128xf32>
    tpu.vector_store %arg5[%swap3A, %swap3A_24], %max3A_23 {strides = array<i32>} : memref<1000x128xf32, #tpu.memory_space<vmem>>, vector<1000x128xf32>,
    return
  }
  func.func @transform_0(%arg0: i32) -> (i32, i32) {
    %c0_i32 = arith.constant 0 : i32
    %c0_i32_0 = arith.constant 0 : i32
    return %arg0, %c0_i32 : i32, i32
  }
  func.func @transform_1(%arg0: i32) -> (i32, i32, i32) {
    %c0_i32 = arith.constant 0 : i32
    %c0_i32_0 = arith.constant 0 : i32
    %c0_i32_1 = arith.constant 0 : i32
    return %c0_i32, %arg0, %c0_i32_0 : i32, i32, i32
  }
  func.func @transform_2(%arg0: i32) -> (i32, i32) {
    %c0_i32 = arith.constant 0 : i32
    %c0_i32_0 = arith.constant 0 : i32
    %c0_i32_1 = arith.constant 0 : i32
    return %c0_i32, %c0_i32_0 : i32, i32
  }
  func.func @transform_3(%arg0: i32) -> (i32, i32) {
    %c0_i32 = arith.constant 0 : i32
    %c0_i32_0 = arith.constant 0 : i32
    %c0_i32_1 = arith.constant 0 : i32
    return %c0_i32, %c0_i32_0 : i32, i32
  }
  func.func @transform_4(%arg0: i32) -> (i32, i32) {
    %c0_i32 = arith.constant 0 : i32
    %c0_i32_0 = arith.constant 0 : i32
    return %arg0, %c0_i32 : i32, i32
  }
}

</mosaic_0001>

<sc_bundles>
// kernel: kernel.5.cloned.1.call-start
scs
__scs_entry_jumppad:
0x0: {  	(pc) =	sbr.rel $0x88, $3  }
0x1: {  	(tag) =	ssettag $0x0;
	lr =	simm.s32 $0x1  }
0x2: {  	[smem:$0x3F9A] =	sst lr;
	_ =	strace $0xD0000000  }
0x3: {  	_ = 	snop  }
0x4: {  	_ = 	snop  }
0x5: {  	_ = 	snop  }
0x6: {  	_ = 	snop  }
0x7: {  	_ = 	snop  }
__scs_overlays_trampoline_lowered:
0x8: {  	[smem:$0x3FA9] =	sst s0  }
0x9: {  	[smem:$0x3FAA] =	sst s1  }
0xa: {  	[smem:$0x3FAB] =	sst s2  }
0xb: {  	[smem:$0x3FAC] =	sst s3  }
0xc: {  	[smem:$0x3FAD] =	sst s4  }
0xd: {  	[smem:$0x3FAE] =	sst s5  }
0xe: {  	[smem:$0x3FAF] =	sst s6  }
0xf: {  	[smem:$0x3FB0] =	sst s7  }
0x10: {  	[smem:$0x3FB1] =	sst s8  }
0x11: {  	[smem:$0x3FB2] =	sst s9;
	s0 =	simm.s32 @!p0 $0x0  }
0x12: {  	s1 =	sld [smem:$0x3F98];
	s0 =	simm.s32 @p0 $0x1  }
0x13: {  	[smem:$0x3FB3] =	sst s0;
	s0 =	simm.s32 @!p1 $0x0  }
0x14: {  	s2 =	sld [smem:$0x3F97];
	s0 =	simm.s32 @p1 $0x1  }
0x15: {  	[smem:$0x3FB4] =	sst s0;
	s0 =	simm.s32 @!p2 $0x0  }
0x16: {  	s3 =	sld [smem:$0x3FDB];
	s0 =	simm.s32 @p2 $0x1  }
0x17: {  	s4 =	simm.s32 $0x1BF5;
	[smem:$0x3FB6] =	sst s0  }
0x18: {  	s0 =	sld [smem:$0x3F99];
	_ =	swait.ge [sflag:s4], $0x0  }
0x19: {  	s7 =	sld [smem:$0x3F9A]  }
0x1a: {  	s8 =	sadd.s32 $0xFFFFE003, lr  }
0x1b: {  	s9 =	sadd.s32 $0xFFFFFEF7, lr;
	s5 =	simm.s32 $0xFFFFFFFF;
	p2 =	slt.u32 s8, $0xFFFFF086  }
0x1c: {  	p1 =	slt.u32 s9, $0xF7A;
	s5 =	simm.s32 @!p2 $0x0  }
0x1d: {  	s5 =	simm.s32 @p1 $0x1;
	p0 =	seq.s32 s7, s2  }
0x1e: {  	s7 =	smul.u32 @!p0 $0xF7A, s2;
	p2 =	seq.s32 @!p0 s5, $0x0  }
0x1f: {  	s9 =	smul.u32 $0xF7A, s1;
	s8 =	simm.s32 @!p0 $0x1BF5;
	p2 =	por !p2, p0  }
0x20: {  	[sflag:s8] =	ssyncset.s32 @!p0 $0xFFFFF086;
	s6 =	sadd.s32 @!p0 s3, s7;
	s7 =	simm.s32 @!p0 $0x108  }
0x21: {  	s3 =	sadd.s32 s3, s9;
	s6 =	sadd.s32 @!p0 $0x88, s6;
	s7 =	simm.s32 @p2 $0x1082  }
0x22: {  	[simem:s7], [sflag:s8] =	dma.local @!p0 [hbm:s6], $0xF7A  }
0x23: {  	s9 =	sor.u32 $0xD0000000, s2;
	s6 =	simm.s32 $0x108;
	_ =	swait.ge @!p0 [sflag:s8], $0x0  }
0x24: {  	s3 =	sadd.s32 $0x88, s3;
	s6 =	simm.s32 @!p1 $0x1082;
	[sflag:s4] =	ssyncset.s32 $0xFFFFF086  }
0x25: {  	[simem:s6], [sflag:s4] =	dma.local [hbm:s3], $0xF7A  }
0x26: {  	[smem:$0x3F9A] =	sst s1;
	(tag) =	ssettag s2;
	_ =	strace s9  }
0x27: {  	s1 =	sld [smem:$0x3FAA]  }
0x28: {  	s2 =	sld [smem:$0x3FAB]  }
0x29: {  	s4 =	sld [smem:$0x3FAD]  }
0x2a: {  	p0 =	seq.s32 s5, $0x0;
	s5 =	sld [smem:$0x3FAE]  }
0x2b: {  	s6 =	sld [smem:$0x3FAF]  }
0x2c: {  	s7 =	sld [smem:$0x3FB0]  }
0x2d: {  	s3 =	simm.s32 $0x108;
	s8 =	sld [smem:$0x3FB1]  }
0x2e: {  	s3 =	simm.s32 @!p0 $0x1082;
	s9 =	sld [smem:$0x3FB2]  }
0x2f: {  	lr =	sadd.s32 s0, s3;
	s0 =	sld [smem:$0x3FA9]  }
0x30: {  	s3 =	sld [smem:$0x3FAC]  }
0x31: {  	[smem:$0x3FB5] =	sst s10  }
0x32: {  	s10 =	sld [smem:$0x3FB3];
	_ =	sdelay $0x3  }
0x33: {  	p0 =	seq.s32 s10, $0x1;
	s10 =	sld [smem:$0x3FB5];
	_ =	sdelay $0x3  }
0x34: {  	[smem:$0x3FB5] =	sst s10  }
0x35: {  	s10 =	sld [smem:$0x3FB4];
	_ =	sdelay $0x3  }
0x36: {  	p1 =	seq.s32 s10, $0x1;
	s10 =	sld [smem:$0x3FB5];
	_ =	sdelay $0x3  }
0x37: {  	[smem:$0x3FB5] =	sst s10  }
0x38: {  	s10 =	sld [smem:$0x3FB6]  }
0x39: {  	_ = 	snop;
	(pc) =	sbr.ind lr, $3  }
0x3a: {  	_ = 	snop  }
0x3b: {  	_ = 	snop  }
0x3c: {  	p2 =	seq.s32 s10, $0x1;
	s10 =	sld [smem:$0x3FB5]  }
0x3d: {  	_ =	shalt  }
0x3e: {  	_ =	shalt  }
0x3f: {  	_ =	shalt  }
0x40: {  	_ =	shalt  }
0x41: {  	_ =	shalt  }
0x42: {  	_ =	shalt  }
0x43: {  	_ =	shalt  }
0x44: {  	_ =	shalt  }
0x45: {  	_ =	shalt  }
0x46: {  	_ =	shalt  }
0x47: {  	_ =	shalt  }
0x48: {  	_ =	shalt  }
0x49: {  	_ =	shalt  }
0x4a: {  	_ =	shalt  }
0x4b: {  	_ =	shalt  }
0x4c: {  	_ =	shalt  }
0x4d: {  	_ =	shalt  }
0x4e: {  	_ =	shalt  }
0x4f: {  	_ =	shalt  }
0x50: {  	_ =	shalt  }
0x51: {  	_ =	shalt  }
0x52: {  	_ =	shalt  }
0x53: {  	_ =	shalt  }
0x54: {  	_ =	shalt  }
0x55: {  	_ =	shalt  }
0x56: {  	_ =	shalt  }
0x57: {  	_ =	shalt  }
0x58: {  	_ =	shalt  }
0x59: {  	_ =	shalt  }
0x5a: {  	_ =	shalt  }
0x5b: {  	_ =	shalt  }
0x5c: {  	_ =	shalt  }
0x5d: {  	_ =	shalt  }
0x5e: {  	_ =	shalt  }
0x5f: {  	_ =	shalt  }
0x60: {  	_ =	shalt  }
0x61: {  	_ =	shalt  }
0x62: {  	_ =	shalt  }
0x63: {  	_ =	shalt  }
0x64: {  	_ =	shalt  }
0x65: {  	_ =	shalt  }
0x66: {  	_ =	shalt  }
0x67: {  	_ =	shalt  }
0x68: {  	_ =	shalt  }
0x69: {  	_ =	shalt  }
0x6a: {  	_ =	shalt  }
0x6b: {  	_ =	shalt  }
0x6c: {  	_ =	shalt  }
0x6d: {  	_ =	shalt  }
0x6e: {  	_ =	shalt  }
0x6f: {  	_ =	shalt  }
0x70: {  	_ =	shalt  }
0x71: {  	_ =	shalt  }
0x72: {  	_ =	shalt  }
0x73: {  	_ =	shalt  }
0x74: {  	_ =	shalt  }
0x75: {  	_ =	shalt  }
0x76: {  	_ =	shalt  }
0x77: {  	_ =	shalt  }
0x78: {  	_ =	shalt  }
0x79: {  	_ =	shalt  }
0x7a: {  	_ =	shalt  }
0x7b: {  	_ =	shalt  }
0x7c: {  	_ =	shalt  }
0x7d: {  	_ =	shalt  }
0x7e: {  	_ =	shalt  }
0x7f: {  	_ =	shalt  }
0x80: {  	_ =	shalt  }
0x81: {  	_ =	shalt  }
0x82: {  	_ =	shalt  }
0x83: {  	_ =	shalt  }
0x84: {  	_ =	shalt  }
0x85: {  	_ =	shalt  }
0x86: {  	_ =	shalt  }
0x87: {  	_ =	shalt  }
.Lfunc_end0:
.L_simem_size_0:
called_computation_lowered:
.L_overlay_start_0:
0x88: {  	s2 =	sld [smem:$0x3FD9]  }
0x89: {  	s3 =	sld [smem:$0x3FFE];
	_ =	sdelay $0x1  }
0x8a: {  	s1 =	srdreg.scid  }
0x8b: {  	s0 =	sand.u32 $0x1, s1  }
0x8c: {  	s17 =	sshll.u32 s0, $0xA;
	s2 =	sadd.s32 s3, s2  }
0x8d: {  	s2 =	sadd.s32 s2, s17  }
0x8e: {  	[smem:$0x3FC1] =	sst s2  }
0x8f: {  	_ = 	snop  }
0x90: {  	s2 =	sld [smem:$0x3FC9]  }
0x91: {  	s18 =	sld [smem:$0x3FD0];
	(tm) =	ssettm $0x1  }
0x92: {  	s4 =	sld [smem:$0x3FFB];
	_ =	sdelay $0x3  }
0x93: {  	_ =	strace s4  }
0x94: {  	s4 =	sld [smem:$0x3FFC];
	_ =	sdelay $0x3  }
0x95: {  	_ =	strace s4  }
0x96: {  	s4 =	sld [smem:$0x3FFD];
	_ =	sdelay $0x3  }
0x97: {  	_ =	strace s4  }
0x98: {  	_ =	strace $0x8FFFFFFF  }
0x99: {  	s19 =	sld [smem:$0x3FDB];
	_ =	sdelay $0x1  }
0x9a: {  	s5 =	simm.s32 $_scs_section_size  }
0x9b: {  	s6 =	simm.s32 $_size__tile_overlayer_lowered;
	s7 =	simm.s32 $_tile_overlayer_lowered  }
0x9c: {  	s22 =	simm.s32 $0x1BFF;
	s21 =	sshll.u32 s7, $0x1;
	s4 =	sadd.s32 s5, s19  }
0x9d: {  	s8 =	simm.s32 $0x0;
	s20 =	sshll.u32 s6, $0x1;
	s6 =	sadd.s32 s21, s4  }
0x9e: {  	[timem:s8], [sflag:s22] =	dma.local [hbm:s6], s20  }
0x9f: {  	_ =	swait.ge [sflag:s22], s20  }
0xa0: {  	s5 =	ssub.s32 $0x0, s20;
	[sflag:s22] =	ssyncset.done $0x0  }
0xa1: {  	[sflag:s22] =	ssyncadd.s32 s5;
	_ =	sdelay $0x1  }
0xa2: {  	s23 =	simm.s32 $0x1B8B  }
0xa3: {  	_ =	swait.ge [sflag:s23], $0x1  }
0xa4: {  	[sflag:s23] =	ssyncset.done $0x0  }
0xa5: {  	s25 =	simm.s32 $0x1B8E;
	s24 =	sld [smem:$0x3FFE];
	[sflag:s23] =	ssyncadd.s32 $0xFFFFFFFF  }
0xa6: {  	s26 =	simm.s32 $execute0_lowered;
	[smem:$0x3FD2] =	sst s25  }
0xa7: {  	s6 =	sshll.u32 s26, $0x1;
	_ =	strace $0x80000046;
	[dreg:$0x1] =	wrdreg $0xFFFFFFFF  }
0xa8: {  	s28 =	simm.s32 $_size_execute0_lowered;
	s4 =	sadd.s32 s4, s6;
	[dreg:$0x0] =	wrdreg $0x0  }
0xa9: {  	s6 =	sshll.u32 s28, $0x1;
	[dreg:$0x2] =	wrdreg s4  }
0xaa: {  	[dreg:$0x3] =	wrdreg s6  }
0xab: {  	[dreg:$0x4] =	wrdreg $0xC0  }
0xac: {  	_ =	task [dreg:s8], $0x5FFFF  }
0xad: {  	[dreg:$0x1] =	wrdreg $0xFFFFFFFF  }
0xae: {  	[dreg:$0x0] =	wrdreg $0x60  }
0xaf: {  	[dreg:$0x2] =	wrdreg s2  }
0xb0: {  	[dreg:$0x3] =	wrdreg s24  }
0xb1: {  	[dreg:$0x4] =	wrdreg s18  }
0xb2: {  	[dreg:$0x5] =	wrdreg $0xA2000  }
0xb3: {  	[dreg:$0x6] =	wrdreg $0x9  }
0xb4: {  	_ =	task.clear_ibuf [dreg:s8], $0x7FFFF;
	_ =	strace $0x90000046  }
0xb5: {  	s29 =	simm.s32 $0x9;
	_ =	strace $0x80000048  }
0xb6: {  	_ =	swait.ge [sflag:s29], $0x1  }
0xb7: {  	[sflag:s29] =	ssyncadd.s32 $0xFFFFFFFF  }
0xb8: {  	_ =	strace $0x90000048  }
0xb9: {  	_ =	sfence  }
0xba: {  	s30 =	sld [smem:$0x0];
	_ =	sdelay $0x2  }
0xbb: {  	s31 =	sshll.u32 s1, $0xD;
	s1 =	sshrl.u32 s1, $0x2  }
0xbc: {  	s3 =	sand.u32 $0x4000, s31;
	s1 =	sadd.s32 s1, s30  }
0xbd: {  	s0 =	sor.u32 s3, s0;
	s1 =	sshll.u32 s1, $0x11  }
0xbe: {  	s0 =	sor.u32 s1, s0  }
0xbf: {  	s0 =	sadd.s32 $0x8F2B, s0  }
0xc0: {  	[sflag:s0] =	ssyncadd.remote.s32 $0x1  }
0xc1: {  	_ =	sfence.sel $0xFFFF  }
0xc2: {  	[dreg:$0x0] =	wrdreg $0xFFFFFFFF;
	(pc) =	sbr.abs _section_cstart, $3  }
0xc3: {  	[dreg:$0x1] =	wrdreg $0xFFFFFFFF  }
0xc4: {  	_ =	task.clear_ibuf [dreg:s8], $0x2FFFF;
	_ =	strace $0x9FFFFFFF  }
0xc5: {  	(tm) =	ssettm $0x7FFFFFFF  }
tec
execute0_lowered:
.L_overlay_start_1:
0x0: {  	(tag) =	ssettag $0x1  }
0x1: {  	s1 =	rddreg [dreg:$0x0]  }
0x2: {  	s0 =	rddreg [dreg:$0x1]  }
0x3: {  	s2 =	rddreg [dreg:$0x2]  }
0x4: {  	s3 =	rddreg [dreg:$0x3];
	s4 =	simm.s32 $0x0;
	s5 =	srdreg.scid  }
0x5: {  	s16 =	stileid.u32;
	s28 =	simm.s32 $0x5180;
	s29 =	simm.s32 $0x5200  }
0x6: {  	s30 =	simm.s32 $0x7A00;
	s31 =	simm.s32 $0x1;
	s6 =	sadd.s32 $0x4E2800, s0  }
0x7: {  	[smem:$0x7FF] =	sst s4;
	s7 =	sadd.s32 $0x4EC600, s0;
	s8 =	sadd.s32 $0x800, s0  }
0x8: {  	s5 =	sand.u32 $0x1, s5;
	s20 =	sshll.u32 s16, $0x1;
	s10 =	smul.u32 $0x4F000, s16  }
0x9: {  	s0 =	sadd.s32 $0x3000, s0;
	s21 =	sshll.u32 s16, $0x6;
	s13 =	smul.u32 $0x13C00, s16  }
0xa: {  	p0 =	seq.s32 s16, $0xF;
	_ =	strace $0x80000047;
	[dreg:$0x5] =	wrdreg s8  }
0xb: {  	s9 =	ssub.s32 $0x2, s5;
	s8 =	sor.u32 s5, s20;
	s5 =	smul.u32 $0x138800, s5  }
0xc: {  	s20 =	simm.s32 $0x5;
	s11 =	sshrl.u32 s9, $0x1;
	s12 =	smul.u32 $0x2710, s8  }
0xd: {  	s10 =	sshrl.u32 s10, $0x2;
	s8 =	smul.u32 $0x27100, s8;
	s9 =	ssub.s32 s9, s11  }
0xe: {  	s17 =	sadd.s32 s10, s3;
	s10 =	sor.u32 $0x1C05, s21;
	s23 =	sadd.s32 s13, s5  }
0xf: {  	s5 =	sshrl.u32 s5, $0x3;
	s21 =	simm.s32 $0x80;
	s22 =	sshrl.u32 s12, $0x3  }
0x10: {  	s8 =	sadd.s32 s7, s8;
	s15 =	sadd.s32 $0xA0, s12;
	[dreg:$0x6] =	wrdreg s17  }
0x11: {  	s5 =	sadd.s32 s0, s5;
	s25 =	smax.u32 s9, $0x1;
	[dreg:$0x9] =	wrdreg s8  }
0x12: {  	s26 =	sshrl.u32 s17, $0x3;
	s14 =	sadd.s32 s6, s22;
	[dreg:$0xc] =	wrdreg s25  }
0x13: {  	s11 =	sadd.s32 s2, s22;
	s8 =	sshrl.u32 s23, $0x3;
	[dreg:$0xd] =	wrdreg s26  }
0x14: {  	s24 =	sadd.s32 $0x25080, s5;
	s22 =	simm.s32 $0x50;
	[dreg:$0x7] =	wrdreg s14  }
0x15: {  	s23 =	simm.s32 $0x100;
	s26 =	simm.s32 $0x5100;
	[dreg:$0x8] =	wrdreg s11  }
0x16: {  	s5 =	simm.s32 $0x3;
	s0 =	sadd.s32 s0, s8;
	[dreg:$0xb] =	wrdreg s24  }
0x17: {  	s14 =	sadd.s32 $0x50, s12;
	[dreg:$0xa] =	wrdreg s0;
	s0 =	sadd.s32 $0x128400, s3  }
0x18: {  	s24 =	simm.s32 $0x2900;
	s8 =	simm.s32 $0x4;
	s0 =	sshrl.u32 @p0 s0, $0x3  }
0x19: {  	s11 =	simm.s32 $0x0;
	[dreg:$0xe] =	wrdreg s0;
	s0 =	simm.s32 $0x2  }
.LBB2_1:
0x1a: {  	s9 =	rddreg [dreg:$0x5]  }
0x1b: {  	s12 =	rddreg [dreg:$0xd]  }
0x1c: {  	[spmem:s12], [sflag:s10] =	dma.local [hbm:s9], $0x2780  }
0x1d: {  	_ =	swait.ge [sflag:s20], $0x2780  }
0x1e: {  	[sflag:s20] =	ssyncset.done $0x0  }
0x1f: {  	[sflag:s20] =	ssyncadd.s32 $0xFFFFD880  }
0x20: {  	[bflag:$0x0] =	sbarrier.arrive $0xFFFF  }
0x21: {  	s18 =	rddreg [dreg:$0x7]  }
0x22: {  	[tilespmem:s4], [sflag:$0x5] =	stream.linear.gather [hbm4b:s18+s4], $0x50, $0x38;
	[tilespmem:$0x1DE00] =	vst v63  }
0x23: {  	_ =	swait.ge [sflag:s20], $0x50  }
0x24: {  	[sflag:s20] =	ssyncset.done $0x0  }
0x25: {  	s19 =	rddreg [dreg:$0x8];
	[sflag:s20] =	ssyncadd.s32 $0xFFFFFFB0  }
0x26: {  	[tilespmem:s21], [sflag:$0x5] =	stream.linear.gather [hbm4b:s19+s4], $0x50, $0x38;
	[tilespmem:$0x1DE00] =	vst v63  }
0x27: {  	_ =	swait.ge [sflag:s20], $0x50  }
0x28: {  	[sflag:s20] =	ssyncset.done $0x0  }
0x29: {  	[sflag:s20] =	ssyncadd.s32 $0xFFFFFFB0  }
0x2a: {  	[tilespmem:s23], [sflag:$0x1] =	stream.indirect.gather [hbm4b:s1+s22], $0x80, s4, s22, $0xb8;
	[tilespmem:$0x1DE00] =	vst v63  }
0x2b: {  	s12 =	simm.s32 $0x0;
	s25 =	rddreg [dreg:$0x9]  }
0x2c: {  	[tilespmem:s24], [sflag:$0x2] =	stream.linear.gather [hbm4b:s25+s4], $0x2800, $0x38;
	[tilespmem:$0x1DE00] =	vst v63  }
.LBB2_2:
0x2d: {  	s13 =	smul.u32 $0xA0, s12;
	_ =	sdelay $0x1  }
0x2e: {  	s9 =	sadd.s32 s13, s14  }
0x2f: {  	s16 =	sshrl.u32 s9, $0x3  }
0x30: {  	s17 =	sadd.s32 s6, s16  }
0x31: {  	[tilespmem:s26], [sflag:$0x5] =	stream.linear.gather [hbm4b:s17+s4], $0x50, $0x38;
	[tilespmem:$0x1DE00] =	vst v63  }
0x32: {  	_ =	swait.ge [sflag:s20], $0x50  }
0x33: {  	[sflag:s20] =	ssyncset.done $0x0  }
0x34: {  	s16 =	sadd.s32 s2, s16;
	[sflag:s20] =	ssyncadd.s32 $0xFFFFFFB0  }
0x35: {  	[tilespmem:s28], [sflag:$0x5] =	stream.linear.gather [hbm4b:s16+s4], $0x50, $0x38;
	[tilespmem:$0x1DE00] =	vst v63  }
0x36: {  	_ =	swait.ge [sflag:s20], $0x50  }
0x37: {  	[sflag:s20] =	ssyncset.done $0x0  }
0x38: {  	s9 =	sshll.u32 s9, $0x4;
	[sflag:s20] =	ssyncadd.s32 $0xFFFFFFB0  }
0x39: {  	[tilespmem:s29], [sflag:$0x3] =	stream.indirect.gather [hbm4b:s1+s22], $0x80, s26, s22, $0xb8;
	[tilespmem:$0x1DE00] =	vst v63  }
0x3a: {  	s9 =	sadd.s32 s7, s9  }
0x3b: {  	[tilespmem:s30], [sflag:$0x4] =	stream.linear.gather [hbm4b:s9+s4], $0x2800, $0x38;
	[tilespmem:$0x1DE00] =	vst v63  }
0x3c: {  	_ =	swait.ge [sflag:s31], $0x2800  }
0x3d: {  	[sflag:s31] =	ssyncset.done $0x0  }
0x3e: {  	[sflag:s31] =	ssyncadd.s32 $0xFFFFD800  }
0x3f: {  	_ =	swait.ge [sflag:s0], $0x2800  }
0x40: {  	[sflag:s0] =	ssyncset.done $0x0  }
0x41: {  	s25 =	simm.s32 $0x2980;
	[sflag:s0] =	ssyncadd.s32 $0xFFFFD800  }
0x42: {  	s16 =	simm.s32 $0x180;
	v0 =	vld [tilespmem:s25+$0x0]  }
0x43: {  	v1 =	vld [tilespmem:s16+$0x0]  }
0x44: {  	v2 =	vld [tilespmem:s16+$0x10];
	_ =	sdelay $0x2  }
0x45: {  	v3 =	vunpack.i.l.bf16.f32 v0  }
0x46: {  	v4 =	vld [tilespmem:s25+$0xFFFFFF80];
	v0 =	vunpack.i.u.bf16.f32 v0;
	v1 =	vadd.f32 v1, v3  }
0x47: {  	v3 =	vld [tilespmem:s16+$0xFFFFFF80];
	v0 =	vadd.f32 v2, v0  }
0x48: {  	v2 =	vld [tilespmem:s16+$0xFFFFFF90];
	v1 =	vmax.f32 v1, $0.0e+00  }
0x49: {  	v0 =	vmax.f32 v0, $0.0e+00;
	[tilespmem:s16+$0x0] =	vst v1  }
0x4a: {  	[tilespmem:s16+$0x10] =	vst v0  }
0x4b: {  	v0 =	vunpack.i.l.bf16.f32 v4;
	v5 =	vld [tilespmem:s25+$0x10]  }
0x4c: {  	v4 =	vunpack.i.u.bf16.f32 v4;
	v0 =	vadd.f32 v3, v0;
	v3 =	vld [tilespmem:s16+$0x20]  }
0x4d: {  	v2 =	vadd.f32 v2, v4;
	v4 =	vld [tilespmem:s16+$0x30]  }
0x4e: {  	v6 =	vld [tilespmem:s16+$0xFFFFFFB0];
	v0 =	vmax.f32 v0, $0.0e+00  }
0x4f: {  	v7 =	vld [tilespmem:s16+$0x60];
	[tilespmem:s16+$0xFFFFFF80] =	vst v0;
	v0 =	vmax.f32 v2, $0.0e+00  }
0x50: {  	s18 =	simm.s32 $0x2A80;
	v9 =	vld [tilespmem:s16+$0x50];
	[tilespmem:s16+$0xFFFFFF90] =	vst v0;
	v0 =	vunpack.i.l.bf16.f32 v5  }
0x51: {  	s17 =	simm.s32 $0x280;
	v10 =	vld [tilespmem:s18+$0x0];
	v5 =	vunpack.i.u.bf16.f32 v5;
	v0 =	vadd.f32 v3, v0  }
0x52: {  	v12 =	vld [tilespmem:s17+$0x0];
	v4 =	vadd.f32 v4, v5  }
0x53: {  	v2 =	vld [tilespmem:s25+$0xFFFFFF90];
	v0 =	vmax.f32 v0, $0.0e+00  }
0x54: {  	v1 =	vld [tilespmem:s16+$0xFFFFFFA0];
	v4 =	vmax.f32 v4, $0.0e+00;
	[tilespmem:s16+$0x20] =	vst v0  }
0x55: {  	v13 =	vld [tilespmem:s17+$0x10];
	[tilespmem:s16+$0x30] =	vst v4  }
0x56: {  	v8 =	vld [tilespmem:s25+$0x20]  }
0x57: {  	v4 =	vld [tilespmem:s16+$0x40]  }
0x58: {  	v14 =	vld [tilespmem:s18+$0xFFFFFF80];
	v11 =	vunpack.i.l.bf16.f32 v2;
	v2 =	vunpack.i.u.bf16.f32 v2  }
0x59: {  	v57 =	vld [tilespmem:s17+$0x30];
	v11 =	vadd.f32 v1, v11;
	v2 =	vadd.f32 v6, v2  }
0x5a: {  	v58 =	vld [tilespmem:s16+$0x70]  }
0x5b: {  	v3 =	vld [tilespmem:s16+$0xFFFFFFC0];
	v11 =	vmax.f32 v11, $0.0e+00;
	v2 =	vmax.f32 v2, $0.0e+00;
	v6 =	vunpack.i.l.bf16.f32 v8  }
0x5c: {  	v5 =	vld [tilespmem:s16+$0xFFFFFFD0];
	v8 =	vunpack.i.u.bf16.f32 v8;
	[tilespmem:s16+$0xFFFFFFA0] =	vst v11;
	v11 =	vunpack.i.l.bf16.f32 v10;
	v4 =	vadd.f32 v4, v6  }
0x5d: {  	[tilespmem:s16+$0xFFFFFFB0] =	vst v2;
	v2 =	vld [tilespmem:s17+$0xFFFFFF90];
	v8 =	vadd.f32 v9, v8;
	v9 =	vunpack.i.u.bf16.f32 v10;
	v10 =	vadd.f32 v12, v11  }
0x5e: {  	v6 =	vld [tilespmem:s17+$0xFFFFFF80];
	v4 =	vmax.f32 v4, $0.0e+00  }
0x5f: {  	v0 =	vld [tilespmem:s16+$0xFFFFFFE0];
	v9 =	vadd.f32 v13, v9;
	v10 =	vmax.f32 v10, $0.0e+00;
	[tilespmem:s16+$0x40] =	vst v4  }
0x60: {  	v56 =	vld [tilespmem:s25+$0xFFFFFFA0];
	v4 =	vmax.f32 v8, $0.0e+00;
	[tilespmem:s17+$0x0] =	vst v10  }
0x61: {  	v1 =	vld [tilespmem:s16+$0xFFFFFFF0];
	v9 =	vmax.f32 v9, $0.0e+00;
	v10 =	vunpack.i.u.bf16.f32 v14;
	[tilespmem:s16+$0x50] =	vst v4  }
0x62: {  	v4 =	vunpack.i.l.bf16.f32 v14;
	[tilespmem:s17+$0x10] =	vst v9;
	v2 =	vadd.f32 v2, v10;
	v10 =	vld [tilespmem:s17+$0x20]  }
0x63: {  	v4 =	vadd.f32 v6, v4;
	v9 =	vld [tilespmem:s18+$0x10]  }
0x64: {  	v6 =	vld [tilespmem:s25+$0x30];
	v2 =	vmax.f32 v2, $0.0e+00  }
0x65: {  	v11 =	vld [tilespmem:s17+$0xFFFFFFA0];
	v4 =	vmax.f32 v4, $0.0e+00;
	[tilespmem:s17+$0xFFFFFF90] =	vst v2;
	v2 =	vunpack.i.l.bf16.f32 v56  }
0x66: {  	v8 =	vld [tilespmem:s17+$0xFFFFFFB0];
	[tilespmem:s17+$0xFFFFFF80] =	vst v4;
	v2 =	vadd.f32 v3, v2  }
0x67: {  	v4 =	vunpack.i.u.bf16.f32 v56;
	v59 =	vld [tilespmem:s18+$0xFFFFFF90]  }
0x68: {  	v3 =	vld [tilespmem:s17+$0xFFFFFFC0];
	v5 =	vadd.f32 v5, v4;
	v15 =	vunpack.i.l.bf16.f32 v9;
	v2 =	vmax.f32 v2, $0.0e+00  }
0x69: {  	v4 =	vld [tilespmem:s17+$0xFFFFFFD0];
	v9 =	vunpack.i.u.bf16.f32 v9;
	v60 =	vunpack.i.u.bf16.f32 v6;
	v10 =	vadd.f32 v10, v15  }
0x6a: {  	v61 =	vunpack.i.l.bf16.f32 v6;
	v6 =	vld [tilespmem:s17+$0xFFFFFFF0];
	v16 =	vmax.f32 v5, $0.0e+00;
	[tilespmem:s16+$0xFFFFFFC0] =	vst v2;
	v9 =	vadd.f32 v57, v9  }
0x6b: {  	v5 =	vld [tilespmem:s17+$0xFFFFFFE0];
	v14 =	vadd.f32 v58, v60;
	[tilespmem:s16+$0xFFFFFFD0] =	vst v16;
	v10 =	vmax.f32 v10, $0.0e+00  }
0x6c: {  	v2 =	vld [tilespmem:s17+$0x60];
	v13 =	vadd.f32 v7, v61;
	v9 =	vmax.f32 v9, $0.0e+00;
	v7 =	vunpack.i.l.bf16.f32 v59;
	[tilespmem:s17+$0x20] =	vst v10  }
0x6d: {  	v10 =	vmax.f32 v14, $0.0e+00;
	v12 =	vunpack.i.u.bf16.f32 v59;
	[tilespmem:s17+$0x30] =	vst v9;
	v11 =	vadd.f32 v11, v7;
	v7 =	vld [tilespmem:s25+$0xFFFFFFB0]  }
0x6e: {  	v62 =	vmax.f32 v13, $0.0e+00;
	[tilespmem:s16+$0x70] =	vst v10;
	v10 =	vadd.f32 v8, v12;
	v8 =	vld [tilespmem:s17+$0x40]  }
0x6f: {  	[tilespmem:s16+$0x60] =	vst v62;
	v9 =	vld [tilespmem:s18+$0x20];
	v63 =	vmax.f32 v11, $0.0e+00  }
0x70: {  	s19 =	simm.s32 $0x2;
	s9 =	simm.s32 $0x280;
	s25 =	simm.s32 $0x2B80;
	v11 =	vmax.f32 v10, $0.0e+00;
	v10 =	vld [tilespmem:s17+$0x50];
	[tilespmem:s17+$0xFFFFFFA0] =	vst v63  }
.LBB2_3:
0x71: {  	v12 =	vld [tilespmem:s25+$0x0];
	[tilespmem:s17+$0xFFFFFFB0] =	vst v11;
	s9 =	sadd.s32 $0x100, s9  }
0x72: {  	v11 =	vld [tilespmem:s9+$0x0];
	v13 =	vunpack.i.u.bf16.f32 v7;
	v7 =	vunpack.i.l.bf16.f32 v7  }
0x73: {  	v14 =	vld [tilespmem:s9+$0x10];
	v7 =	vadd.f32 v0, v7;
	v13 =	vadd.f32 v1, v13;
	v0 =	vmovc v5;
	v1 =	vmov v6  }
0x74: {  	s19 =	sadd.s32 $0x2, s19;
	v5 =	vld [tilespmem:s25+$0xFFFFFF80];
	v6 =	vunpack.i.l.bf16.f32 v9  }
0x75: {  	p1 =	slt.u32 s19, $0x4E;
	v9 =	vunpack.i.u.bf16.f32 v9;
	v15 =	vld [tilespmem:s9+$0xFFFFFF80];
	v6 =	vadd.f32 v8, v6;
	v7 =	vmax.f32 v7, $0.0e+00  }
0x76: {  	v9 =	vadd.f32 v10, v9;
	v8 =	vld [tilespmem:s9+$0xFFFFFF90];
	v16 =	vunpack.i.l.bf16.f32 v12;
	[tilespmem:s16+$0xFFFFFFE0] =	vst v7;
	v7 =	vmax.f32 v13, $0.0e+00  }
0x77: {  	v12 =	vunpack.i.u.bf16.f32 v12;
	v10 =	vld [tilespmem:s9+$0xFFFFFFA0];
	v11 =	vadd.f32 v11, v16;
	v6 =	vmax.f32 v6, $0.0e+00;
	[tilespmem:s16+$0xFFFFFFF0] =	vst v7;
	s16 =	smov.u32 s17;
	s17 =	smov.u32 s9  }
0x78: {  	v7 =	vld [tilespmem:s9+$0xFFFFFFB0];
	v12 =	vadd.f32 v14, v12;
	[tilespmem:s16+$0x40] =	vst v6;
	v6 =	vmax.f32 v9, $0.0e+00  }
0x79: {  	v9 =	vunpack.i.u.bf16.f32 v5;
	v5 =	vunpack.i.l.bf16.f32 v5;
	v11 =	vmax.f32 v11, $0.0e+00;
	v13 =	vld [tilespmem:s18+$0xFFFFFFA0];
	[tilespmem:s16+$0x50] =	vst v6  }
0x7a: {  	v5 =	vadd.f32 v15, v5;
	[tilespmem:s9+$0x0] =	vst v11;
	v6 =	vmax.f32 v12, $0.0e+00;
	v11 =	vld [tilespmem:s18+$0x30]  }
0x7b: {  	v8 =	vadd.f32 v8, v9;
	[tilespmem:s9+$0x10] =	vst v6;
	v6 =	vld [tilespmem:s16+$0x70]  }
0x7c: {  	v5 =	vmax.f32 v5, $0.0e+00;
	v9 =	vld [tilespmem:s25+$0x10]  }
0x7d: {  	[tilespmem:s9+$0xFFFFFF80] =	vst v5;
	v5 =	vmax.f32 v8, $0.0e+00;
	v8 =	vld [tilespmem:s9+$0x20]  }
0x7e: {  	[tilespmem:s9+$0xFFFFFF90] =	vst v5;
	v12 =	vld [tilespmem:s9+$0x30];
	v5 =	vunpack.i.u.bf16.f32 v13;
	v13 =	vunpack.i.l.bf16.f32 v13  }
0x7f: {  	v14 =	vld [tilespmem:s25+$0xFFFFFF90];
	v13 =	vadd.f32 v3, v13;
	v5 =	vadd.f32 v4, v5;
	v4 =	vunpack.i.u.bf16.f32 v11  }
0x80: {  	v11 =	vunpack.i.l.bf16.f32 v11;
	v3 =	vld [tilespmem:s9+$0xFFFFFFC0];
	v6 =	vadd.f32 v6, v4  }
0x81: {  	v4 =	vld [tilespmem:s9+$0xFFFFFFD0];
	v15 =	vunpack.i.l.bf16.f32 v9;
	v13 =	vmax.f32 v13, $0.0e+00;
	v16 =	vmax.f32 v5, $0.0e+00  }
0x82: {  	v9 =	vunpack.i.u.bf16.f32 v9;
	v5 =	vld [tilespmem:s9+$0xFFFFFFE0];
	v8 =	vadd.f32 v8, v15;
	[tilespmem:s16+$0xFFFFFFC0] =	vst v13;
	v13 =	vmax.f32 v6, $0.0e+00  }
0x83: {  	v11 =	vadd.f32 v2, v11;
	v6 =	vld [tilespmem:s9+$0xFFFFFFF0];
	v9 =	vadd.f32 v12, v9;
	[tilespmem:s16+$0x70] =	vst v13  }
.Ltmp0:
0x84: {  	v12 =	vunpack.i.u.bf16.f32 v14;
	v13 =	vunpack.i.l.bf16.f32 v14;
	v8 =	vmax.f32 v8, $0.0e+00;
	v2 =	vld [tilespmem:s9+$0x60];
	[tilespmem:s16+$0xFFFFFFD0] =	vst v16;
	(pc) =	sbr.rel @p1 .LBB2_3-.Ltmp0, $4  }
0x85: {  	v10 =	vadd.f32 v10, v13;
	v12 =	vadd.f32 v7, v12;
	[tilespmem:s9+$0x20] =	vst v8;
	v8 =	vmax.f32 v9, $0.0e+00;
	v7 =	vld [tilespmem:s18+$0xFFFFFFB0];
	s18 =	smov.u32 s25  }
0x86: {  	v13 =	vmax.f32 v11, $0.0e+00;
	[tilespmem:s9+$0x30] =	vst v8;
	v8 =	vld [tilespmem:s9+$0x40]  }
0x87: {  	v10 =	vmax.f32 v10, $0.0e+00;
	v11 =	vmax.f32 v12, $0.0e+00;
	v9 =	vld [tilespmem:s25+$0x20];
	[tilespmem:s16+$0x60] =	vst v13  }
0x88: {  	s25 =	sadd.s32 $0x100, s25;
	[tilespmem:s9+$0xFFFFFFA0] =	vst v10;
	v10 =	vld [tilespmem:s9+$0x50]  }
0x89: {  	[tilespmem:s17+$0xFFFFFFB0] =	vst v11  }
0x8a: {  	v11 =	vld [tilespmem:s18+$0xFFFFFFA0];
	_ =	sdelay $0x2  }
0x8b: {  	v12 =	vunpack.i.l.bf16.f32 v9  }
0x8c: {  	v9 =	vunpack.i.u.bf16.f32 v9;
	v8 =	vadd.f32 v8, v12  }
0x8d: {  	v9 =	vadd.f32 v10, v9;
	v10 =	vunpack.i.l.bf16.f32 v11  }
0x8e: {  	v8 =	vmax.f32 v8, $0.0e+00;
	v11 =	vunpack.i.u.bf16.f32 v11;
	v3 =	vadd.f32 v3, v10  }
0x8f: {  	[tilespmem:s17+$0x40] =	vst v8;
	v8 =	vmax.f32 v9, $0.0e+00;
	v4 =	vadd.f32 v4, v11  }
0x90: {  	[tilespmem:s17+$0x50] =	vst v8;
	v3 =	vmax.f32 v3, $0.0e+00  }
0x91: {  	v8 =	vld [tilespmem:s18+$0x30];
	v4 =	vmax.f32 v4, $0.0e+00;
	[tilespmem:s17+$0xFFFFFFC0] =	vst v3  }
0x92: {  	v3 =	vld [tilespmem:s17+$0x70];
	[tilespmem:s17+$0xFFFFFFD0] =	vst v4  }
0x93: {  	v4 =	vld [tilespmem:s18+$0xFFFFFFB0]  }
0x94: {  	v9 =	vunpack.i.l.bf16.f32 v7  }
0x95: {  	v7 =	vunpack.i.u.bf16.f32 v7;
	v0 =	vadd.f32 v0, v9  }
0x96: {  	v1 =	vadd.f32 v1, v7;
	v7 =	vunpack.i.u.bf16.f32 v8  }
0x97: {  	v0 =	vmax.f32 v0, $0.0e+00;
	v8 =	vunpack.i.l.bf16.f32 v8;
	v3 =	vadd.f32 v3, v7  }
0x98: {  	[tilespmem:s16+$0xFFFFFFE0] =	vst v0;
	v0 =	vmax.f32 v1, $0.0e+00;
	v1 =	vadd.f32 v2, v8;
	v2 =	vunpack.i.l.bf16.f32 v4  }
0x99: {  	[tilespmem:s16+$0xFFFFFFF0] =	vst v0;
	v0 =	vmax.f32 v3, $0.0e+00;
	v3 =	vunpack.i.u.bf16.f32 v4;
	v2 =	vadd.f32 v5, v2  }
0x9a: {  	[tilespmem:s17+$0x70] =	vst v0;
	v0 =	vmax.f32 v1, $0.0e+00;
	v1 =	vadd.f32 v6, v3  }
0x9b: {  	[tilespmem:s17+$0x60] =	vst v0;
	v0 =	vmax.f32 v2, $0.0e+00  }
0x9c: {  	[tilespmem:s17+$0xFFFFFFE0] =	vst v0;
	v0 =	vmax.f32 v1, $0.0e+00  }
0x9d: {  	[tilespmem:s17+$0xFFFFFFF0] =	vst v0  }
0x9e: {  	[spmem:s3] =	stream.indirect.scatter.add.f32 [tilespmem:s23], [sflag:$0x5], $0x80, s21, s22, $0xb8;
	[tilespmem:$0x1DE00] =	vst v63  }
0x9f: {  	s9 =	sadd.s32 s13, s15;
	_ =	swait.ge [sflag:s20], $0x2800  }
0xa0: {  	s13 =	sshrl.u32 s9, $0x3;
	[sflag:s20] =	ssyncset.done $0x0  }
0xa1: {  	s19 =	sadd.s32 s6, s13;
	[sflag:s20] =	ssyncadd.s32 $0xFFFFD800  }
0xa2: {  	[tilespmem:s4], [sflag:$0x5] =	stream.linear.gather [hbm4b:s19+s4], $0x50, $0x38;
	[tilespmem:$0x1DE00] =	vst v63  }
0xa3: {  	_ =	swait.ge [sflag:s20], $0x50  }
0xa4: {  	[sflag:s20] =	ssyncset.done $0x0  }
0xa5: {  	s13 =	sadd.s32 s2, s13;
	[sflag:s20] =	ssyncadd.s32 $0xFFFFFFB0  }
0xa6: {  	[tilespmem:s21], [sflag:$0x5] =	stream.linear.gather [hbm4b:s13+s4], $0x50, $0x38;
	[tilespmem:$0x1DE00] =	vst v63  }
0xa7: {  	_ =	swait.ge [sflag:s20], $0x50  }
0xa8: {  	[sflag:s20] =	ssyncset.done $0x0  }
0xa9: {  	s9 =	sshll.u32 s9, $0x4;
	[sflag:s20] =	ssyncadd.s32 $0xFFFFFFB0  }
0xaa: {  	[tilespmem:s23], [sflag:$0x1] =	stream.indirect.gather [hbm4b:s1+s22], $0x80, s4, s22, $0xb8;
	[tilespmem:$0x1DE00] =	vst v63  }
0xab: {  	s9 =	sadd.s32 s7, s9  }
0xac: {  	[tilespmem:s24], [sflag:$0x2] =	stream.linear.gather [hbm4b:s9+s4], $0x2800, $0x38;
	[tilespmem:$0x1DE00] =	vst v63  }
0xad: {  	_ =	swait.ge [sflag:s5], $0x2800  }
0xae: {  	[sflag:s5] =	ssyncset.done $0x0  }
0xaf: {  	[sflag:s5] =	ssyncadd.s32 $0xFFFFD800  }
0xb0: {  	_ =	swait.ge [sflag:s8], $0x2800  }
0xb1: {  	[sflag:s8] =	ssyncset.done $0x0  }
0xb2: {  	s25 =	simm.s32 $0x7A80;
	[sflag:s8] =	ssyncadd.s32 $0xFFFFD800  }
0xb3: {  	s13 =	simm.s32 $0x5280;
	v0 =	vld [tilespmem:s25+$0x0]  }
0xb4: {  	v1 =	vld [tilespmem:s13+$0x0]  }
0xb5: {  	v2 =	vld [tilespmem:s13+$0x10];
	_ =	sdelay $0x2  }
0xb6: {  	v3 =	vunpack.i.l.bf16.f32 v0  }
0xb7: {  	v4 =	vld [tilespmem:s25+$0xFFFFFF80];
	v0 =	vunpack.i.u.bf16.f32 v0;
	v1 =	vadd.f32 v1, v3  }
0xb8: {  	v3 =	vld [tilespmem:s13+$0xFFFFFF80];
	v0 =	vadd.f32 v2, v0  }
0xb9: {  	v2 =	vld [tilespmem:s13+$0xFFFFFF90];
	v1 =	vmax.f32 v1, $0.0e+00  }
0xba: {  	v0 =	vmax.f32 v0, $0.0e+00;
	[tilespmem:s13+$0x0] =	vst v1  }
0xbb: {  	[tilespmem:s13+$0x10] =	vst v0  }
0xbc: {  	v0 =	vunpack.i.l.bf16.f32 v4;
	v5 =	vld [tilespmem:s25+$0x10]  }
0xbd: {  	v4 =	vunpack.i.u.bf16.f32 v4;
	v0 =	vadd.f32 v3, v0;
	v3 =	vld [tilespmem:s13+$0x20]  }
0xbe: {  	v2 =	vadd.f32 v2, v4;
	v4 =	vld [tilespmem:s13+$0x30]  }
0xbf: {  	v6 =	vld [tilespmem:s13+$0xFFFFFFB0];
	v0 =	vmax.f32 v0, $0.0e+00  }
0xc0: {  	v7 =	vld [tilespmem:s13+$0x60];
	[tilespmem:s13+$0xFFFFFF80] =	vst v0;
	v0 =	vmax.f32 v2, $0.0e+00  }
0xc1: {  	s17 =	simm.s32 $0x7B80;
	v9 =	vld [tilespmem:s13+$0x50];
	[tilespmem:s13+$0xFFFFFF90] =	vst v0;
	v0 =	vunpack.i.l.bf16.f32 v5  }
0xc2: {  	s16 =	simm.s32 $0x5380;
	v10 =	vld [tilespmem:s17+$0x0];
	v5 =	vunpack.i.u.bf16.f32 v5;
	v0 =	vadd.f32 v3, v0  }
0xc3: {  	v55 =	vld [tilespmem:s16+$0x0];
	v4 =	vadd.f32 v4, v5  }
0xc4: {  	v2 =	vld [tilespmem:s25+$0xFFFFFF90];
	v0 =	vmax.f32 v0, $0.0e+00  }
0xc5: {  	v1 =	vld [tilespmem:s13+$0xFFFFFFA0];
	v4 =	vmax.f32 v4, $0.0e+00;
	[tilespmem:s13+$0x20] =	vst v0  }
0xc6: {  	v13 =	vld [tilespmem:s16+$0x10];
	[tilespmem:s13+$0x30] =	vst v4  }
0xc7: {  	v8 =	vld [tilespmem:s25+$0x20]  }
0xc8: {  	v4 =	vld [tilespmem:s13+$0x40]  }
0xc9: {  	v14 =	vld [tilespmem:s17+$0xFFFFFF80];
	v11 =	vunpack.i.l.bf16.f32 v2;
	v2 =	vunpack.i.u.bf16.f32 v2  }
0xca: {  	v57 =	vld [tilespmem:s16+$0x30];
	v11 =	vadd.f32 v1, v11;
	v2 =	vadd.f32 v6, v2  }
0xcb: {  	v58 =	vld [tilespmem:s13+$0x70]  }
0xcc: {  	v3 =	vld [tilespmem:s13+$0xFFFFFFC0];
	v11 =	vmax.f32 v11, $0.0e+00;
	v2 =	vmax.f32 v2, $0.0e+00;
	v6 =	vunpack.i.l.bf16.f32 v8  }
0xcd: {  	v5 =	vld [tilespmem:s13+$0xFFFFFFD0];
	v8 =	vunpack.i.u.bf16.f32 v8;
	[tilespmem:s13+$0xFFFFFFA0] =	vst v11;
	v11 =	vunpack.i.l.bf16.f32 v10;
	v4 =	vadd.f32 v4, v6  }
0xce: {  	[tilespmem:s13+$0xFFFFFFB0] =	vst v2;
	v2 =	vld [tilespmem:s16+$0xFFFFFF90];
	v8 =	vadd.f32 v9, v8;
	v9 =	vunpack.i.u.bf16.f32 v10;
	v10 =	vadd.f32 v55, v11  }
0xcf: {  	v6 =	vld [tilespmem:s16+$0xFFFFFF80];
	v4 =	vmax.f32 v4, $0.0e+00  }
0xd0: {  	v0 =	vld [tilespmem:s13+$0xFFFFFFE0];
	v9 =	vadd.f32 v13, v9;
	v10 =	vmax.f32 v10, $0.0e+00;
	[tilespmem:s13+$0x40] =	vst v4  }
0xd1: {  	v56 =	vld [tilespmem:s25+$0xFFFFFFA0];
	v4 =	vmax.f32 v8, $0.0e+00;
	[tilespmem:s16+$0x0] =	vst v10  }
0xd2: {  	v1 =	vld [tilespmem:s13+$0xFFFFFFF0];
	v9 =	vmax.f32 v9, $0.0e+00;
	v10 =	vunpack.i.u.bf16.f32 v14;
	[tilespmem:s13+$0x50] =	vst v4  }
0xd3: {  	v4 =	vunpack.i.l.bf16.f32 v14;
	[tilespmem:s16+$0x10] =	vst v9;
	v2 =	vadd.f32 v2, v10;
	v10 =	vld [tilespmem:s16+$0x20]  }
0xd4: {  	v4 =	vadd.f32 v6, v4;
	v9 =	vld [tilespmem:s17+$0x10]  }
0xd5: {  	v6 =	vld [tilespmem:s25+$0x30];
	v2 =	vmax.f32 v2, $0.0e+00  }
0xd6: {  	v11 =	vld [tilespmem:s16+$0xFFFFFFA0];
	v4 =	vmax.f32 v4, $0.0e+00;
	[tilespmem:s16+$0xFFFFFF90] =	vst v2;
	v2 =	vunpack.i.l.bf16.f32 v56  }
0xd7: {  	v8 =	vld [tilespmem:s16+$0xFFFFFFB0];
	[tilespmem:s16+$0xFFFFFF80] =	vst v4;
	v2 =	vadd.f32 v3, v2  }
0xd8: {  	v4 =	vunpack.i.u.bf16.f32 v56;
	v59 =	vld [tilespmem:s17+$0xFFFFFF90]  }
0xd9: {  	v3 =	vld [tilespmem:s16+$0xFFFFFFC0];
	v5 =	vadd.f32 v5, v4;
	v15 =	vunpack.i.l.bf16.f32 v9;
	v2 =	vmax.f32 v2, $0.0e+00  }
0xda: {  	v4 =	vld [tilespmem:s16+$0xFFFFFFD0];
	v9 =	vunpack.i.u.bf16.f32 v9;
	v60 =	vunpack.i.u.bf16.f32 v6;
	v10 =	vadd.f32 v10, v15  }
0xdb: {  	v61 =	vunpack.i.l.bf16.f32 v6;
	v6 =	vld [tilespmem:s16+$0xFFFFFFF0];
	v16 =	vmax.f32 v5, $0.0e+00;
	[tilespmem:s13+$0xFFFFFFC0] =	vst v2;
	v9 =	vadd.f32 v57, v9  }
0xdc: {  	v5 =	vld [tilespmem:s16+$0xFFFFFFE0];
	v14 =	vadd.f32 v58, v60;
	[tilespmem:s13+$0xFFFFFFD0] =	vst v16;
	v10 =	vmax.f32 v10, $0.0e+00  }
0xdd: {  	v2 =	vld [tilespmem:s16+$0x60];
	v13 =	vadd.f32 v7, v61;
	v9 =	vmax.f32 v9, $0.0e+00;
	v7 =	vunpack.i.l.bf16.f32 v59;
	[tilespmem:s16+$0x20] =	vst v10  }
0xde: {  	v10 =	vmax.f32 v14, $0.0e+00;
	v12 =	vunpack.i.u.bf16.f32 v59;
	[tilespmem:s16+$0x30] =	vst v9;
	v11 =	vadd.f32 v11, v7;
	v7 =	vld [tilespmem:s25+$0xFFFFFFB0]  }
0xdf: {  	v62 =	vmax.f32 v13, $0.0e+00;
	[tilespmem:s13+$0x70] =	vst v10;
	v10 =	vadd.f32 v8, v12;
	v8 =	vld [tilespmem:s16+$0x40]  }
0xe0: {  	[tilespmem:s13+$0x60] =	vst v62;
	v9 =	vld [tilespmem:s17+$0x20];
	v63 =	vmax.f32 v11, $0.0e+00  }
0xe1: {  	s18 =	simm.s32 $0x2;
	s19 =	simm.s32 $0x7C80;
	s9 =	simm.s32 $0x5380;
	v11 =	vmax.f32 v10, $0.0e+00;
	v10 =	vld [tilespmem:s16+$0x50];
	[tilespmem:s16+$0xFFFFFFA0] =	vst v63  }
.LBB2_5:
0xe2: {  	v12 =	vld [tilespmem:s19+$0x0];
	[tilespmem:s16+$0xFFFFFFB0] =	vst v11;
	s9 =	sadd.s32 $0x100, s9  }
0xe3: {  	v11 =	vld [tilespmem:s9+$0x0];
	v13 =	vunpack.i.u.bf16.f32 v7;
	v7 =	vunpack.i.l.bf16.f32 v7  }
0xe4: {  	v14 =	vld [tilespmem:s9+$0x10];
	v7 =	vadd.f32 v0, v7;
	v13 =	vadd.f32 v1, v13;
	v0 =	vmovc v5;
	v1 =	vmov v6  }
0xe5: {  	s18 =	sadd.s32 $0x2, s18;
	v5 =	vld [tilespmem:s19+$0xFFFFFF80];
	v6 =	vunpack.i.l.bf16.f32 v9  }
0xe6: {  	p1 =	slt.u32 s18, $0x4E;
	v9 =	vunpack.i.u.bf16.f32 v9;
	v15 =	vld [tilespmem:s9+$0xFFFFFF80];
	v6 =	vadd.f32 v8, v6;
	v7 =	vmax.f32 v7, $0.0e+00  }
0xe7: {  	v9 =	vadd.f32 v10, v9;
	v8 =	vld [tilespmem:s9+$0xFFFFFF90];
	v16 =	vunpack.i.l.bf16.f32 v12;
	[tilespmem:s13+$0xFFFFFFE0] =	vst v7;
	v7 =	vmax.f32 v13, $0.0e+00  }
0xe8: {  	v12 =	vunpack.i.u.bf16.f32 v12;
	v10 =	vld [tilespmem:s9+$0xFFFFFFA0];
	v11 =	vadd.f32 v11, v16;
	v6 =	vmax.f32 v6, $0.0e+00;
	[tilespmem:s13+$0xFFFFFFF0] =	vst v7;
	s13 =	smov.u32 s16;
	s16 =	smov.u32 s9  }
0xe9: {  	v7 =	vld [tilespmem:s9+$0xFFFFFFB0];
	v12 =	vadd.f32 v14, v12;
	[tilespmem:s13+$0x40] =	vst v6;
	v6 =	vmax.f32 v9, $0.0e+00  }
0xea: {  	v9 =	vunpack.i.u.bf16.f32 v5;
	v5 =	vunpack.i.l.bf16.f32 v5;
	v11 =	vmax.f32 v11, $0.0e+00;
	v13 =	vld [tilespmem:s17+$0xFFFFFFA0];
	[tilespmem:s13+$0x50] =	vst v6  }
0xeb: {  	v5 =	vadd.f32 v15, v5;
	[tilespmem:s9+$0x0] =	vst v11;
	v6 =	vmax.f32 v12, $0.0e+00;
	v11 =	vld [tilespmem:s17+$0x30]  }
0xec: {  	v8 =	vadd.f32 v8, v9;
	[tilespmem:s9+$0x10] =	vst v6;
	v6 =	vld [tilespmem:s13+$0x70]  }
0xed: {  	v5 =	vmax.f32 v5, $0.0e+00;
	v9 =	vld [tilespmem:s19+$0x10]  }
0xee: {  	[tilespmem:s9+$0xFFFFFF80] =	vst v5;
	v5 =	vmax.f32 v8, $0.0e+00;
	v8 =	vld [tilespmem:s9+$0x20]  }
0xef: {  	[tilespmem:s9+$0xFFFFFF90] =	vst v5;
	v12 =	vld [tilespmem:s9+$0x30];
	v5 =	vunpack.i.u.bf16.f32 v13;
	v13 =	vunpack.i.l.bf16.f32 v13  }
0xf0: {  	v14 =	vld [tilespmem:s19+$0xFFFFFF90];
	v13 =	vadd.f32 v3, v13;
	v5 =	vadd.f32 v4, v5;
	v4 =	vunpack.i.u.bf16.f32 v11  }
0xf1: {  	v11 =	vunpack.i.l.bf16.f32 v11;
	v3 =	vld [tilespmem:s9+$0xFFFFFFC0];
	v6 =	vadd.f32 v6, v4  }
0xf2: {  	v4 =	vld [tilespmem:s9+$0xFFFFFFD0];
	v15 =	vunpack.i.l.bf16.f32 v9;
	v13 =	vmax.f32 v13, $0.0e+00;
	v16 =	vmax.f32 v5, $0.0e+00  }
0xf3: {  	v9 =	vunpack.i.u.bf16.f32 v9;
	v5 =	vld [tilespmem:s9+$0xFFFFFFE0];
	v8 =	vadd.f32 v8, v15;
	[tilespmem:s13+$0xFFFFFFC0] =	vst v13;
	v13 =	vmax.f32 v6, $0.0e+00  }
0xf4: {  	v11 =	vadd.f32 v2, v11;
	v6 =	vld [tilespmem:s9+$0xFFFFFFF0];
	v9 =	vadd.f32 v12, v9;
	[tilespmem:s13+$0x70] =	vst v13  }
.Ltmp1:
0xf5: {  	v12 =	vunpack.i.u.bf16.f32 v14;
	v13 =	vunpack.i.l.bf16.f32 v14;
	v8 =	vmax.f32 v8, $0.0e+00;
	v2 =	vld [tilespmem:s9+$0x60];
	[tilespmem:s13+$0xFFFFFFD0] =	vst v16;
	(pc) =	sbr.rel @p1 .LBB2_5-.Ltmp1, $4  }
0xf6: {  	v10 =	vadd.f32 v10, v13;
	v12 =	vadd.f32 v7, v12;
	[tilespmem:s9+$0x20] =	vst v8;
	v8 =	vmax.f32 v9, $0.0e+00;
	v7 =	vld [tilespmem:s17+$0xFFFFFFB0];
	s17 =	smov.u32 s19  }
0xf7: {  	v13 =	vmax.f32 v11, $0.0e+00;
	[tilespmem:s9+$0x30] =	vst v8;
	v8 =	vld [tilespmem:s9+$0x40]  }
0xf8: {  	v10 =	vmax.f32 v10, $0.0e+00;
	v11 =	vmax.f32 v12, $0.0e+00;
	v9 =	vld [tilespmem:s19+$0x20];
	[tilespmem:s13+$0x60] =	vst v13  }
0xf9: {  	s19 =	sadd.s32 $0x100, s19;
	[tilespmem:s9+$0xFFFFFFA0] =	vst v10;
	v10 =	vld [tilespmem:s9+$0x50]  }
0xfa: {  	[tilespmem:s16+$0xFFFFFFB0] =	vst v11  }
0xfb: {  	v11 =	vld [tilespmem:s17+$0xFFFFFFA0];
	_ =	sdelay $0x2  }
0xfc: {  	v12 =	vunpack.i.l.bf16.f32 v9  }
0xfd: {  	v48 =	vunpack.i.u.bf16.f32 v9;
	v8 =	vadd.f32 v8, v12  }
0xfe: {  	v9 =	vadd.f32 v10, v48;
	v49 =	vunpack.i.l.bf16.f32 v11  }
0xff: {  	v8 =	vmax.f32 v8, $0.0e+00;
	v11 =	vunpack.i.u.bf16.f32 v11;
	v3 =	vadd.f32 v3, v49  }
0x100: {  	v50 =	vmax.f32 v9, $0.0e+00;
	[tilespmem:s16+$0x40] =	vst v8;
	v4 =	vadd.f32 v4, v11  }
0x101: {  	[tilespmem:s16+$0x50] =	vst v50;
	v3 =	vmax.f32 v3, $0.0e+00  }
0x102: {  	v8 =	vld [tilespmem:s17+$0x30];
	v4 =	vmax.f32 v4, $0.0e+00;
	[tilespmem:s16+$0xFFFFFFC0] =	vst v3  }
0x103: {  	v51 =	vld [tilespmem:s16+$0x70];
	[tilespmem:s16+$0xFFFFFFD0] =	vst v4  }
0x104: {  	v4 =	vld [tilespmem:s17+$0xFFFFFFB0]  }
0x105: {  	v52 =	vunpack.i.l.bf16.f32 v7  }
0x106: {  	v53 =	vunpack.i.u.bf16.f32 v7;
	v0 =	vadd.f32 v0, v52  }
0x107: {  	v1 =	vadd.f32 v1, v53;
	v54 =	vunpack.i.u.bf16.f32 v8  }
0x108: {  	v0 =	vmax.f32 v0, $0.0e+00;
	v8 =	vunpack.i.l.bf16.f32 v8;
	v3 =	vadd.f32 v51, v54  }
0x109: {  	v55 =	vmax.f32 v1, $0.0e+00;
	[tilespmem:s13+$0xFFFFFFE0] =	vst v0;
	v56 =	vadd.f32 v2, v8;
	v57 =	vunpack.i.l.bf16.f32 v4  }
0x10a: {  	[tilespmem:s13+$0xFFFFFFF0] =	vst v55;
	v58 =	vmax.f32 v3, $0.0e+00;
	v59 =	vunpack.i.u.bf16.f32 v4;
	v2 =	vadd.f32 v5, v57  }
0x10b: {  	v60 =	vmax.f32 v56, $0.0e+00;
	[tilespmem:s16+$0x70] =	vst v58;
	v61 =	vadd.f32 v6, v59  }
0x10c: {  	s12 =	sadd.s32 $0x1, s12;
	[tilespmem:s16+$0x60] =	vst v60;
	v62 =	vmax.f32 v2, $0.0e+00  }
0x10d: {  	p1 =	sne.s32 s12, $0x3E;
	v63 =	vmax.f32 v61, $0.0e+00;
	[tilespmem:s16+$0xFFFFFFE0] =	vst v62  }
.Ltmp2:
0x10e: {  	[tilespmem:s16+$0xFFFFFFF0] =	vst v63;
	(pc) =	sbr.rel @p1 .LBB2_2-.Ltmp2, $4  }
0x10f: {  	[spmem:s3] =	stream.indirect.scatter.add.f32 [tilespmem:s29], [sflag:$0x5], $0x80, s28, s22, $0xb8;
	[tilespmem:$0x1DE00] =	vst v63  }
0x110: {  	_ =	swait.ge [sflag:s20], $0x2800  }
0x111: {  	[sflag:s20] =	ssyncset.done $0x0  }
0x112: {  	[sflag:s20] =	ssyncadd.s32 $0xFFFFD800  }
0x113: {  	_ =	swait.ge [sflag:s31], $0x2800  }
0x114: {  	[sflag:s31] =	ssyncset.done $0x0  }
0x115: {  	[sflag:s31] =	ssyncadd.s32 $0xFFFFD800  }
0x116: {  	_ =	swait.ge [sflag:s0], $0x2800  }
0x117: {  	[sflag:s0] =	ssyncset.done $0x0  }
0x118: {  	s9 =	simm.s32 $0x2980;
	[sflag:s0] =	ssyncadd.s32 $0xFFFFD800  }
0x119: {  	s12 =	simm.s32 $0x180;
	v0 =	vld [tilespmem:s9+$0x0]  }
0x11a: {  	v1 =	vld [tilespmem:s12+$0x0]  }
0x11b: {  	v2 =	vld [tilespmem:s12+$0x10];
	_ =	sdelay $0x2  }
0x11c: {  	v3 =	vunpack.i.l.bf16.f32 v0  }
0x11d: {  	v4 =	vld [tilespmem:s9+$0xFFFFFF80];
	v0 =	vunpack.i.u.bf16.f32 v0;
	v1 =	vadd.f32 v1, v3  }
0x11e: {  	v3 =	vld [tilespmem:s12+$0xFFFFFF80];
	v0 =	vadd.f32 v2, v0  }
0x11f: {  	v2 =	vld [tilespmem:s12+$0xFFFFFF90];
	v1 =	vmax.f32 v1, $0.0e+00  }
0x120: {  	v0 =	vmax.f32 v0, $0.0e+00;
	[tilespmem:s12+$0x0] =	vst v1  }
0x121: {  	[tilespmem:s12+$0x10] =	vst v0  }
0x122: {  	v0 =	vunpack.i.l.bf16.f32 v4;
	v5 =	vld [tilespmem:s9+$0x10]  }
0x123: {  	v4 =	vunpack.i.u.bf16.f32 v4;
	v0 =	vadd.f32 v3, v0;
	v3 =	vld [tilespmem:s12+$0x20]  }
0x124: {  	v2 =	vadd.f32 v2, v4;
	v4 =	vld [tilespmem:s12+$0x30]  }
0x125: {  	v6 =	vld [tilespmem:s12+$0xFFFFFFB0];
	v0 =	vmax.f32 v0, $0.0e+00  }
0x126: {  	v7 =	vld [tilespmem:s12+$0x60];
	[tilespmem:s12+$0xFFFFFF80] =	vst v0;
	v0 =	vmax.f32 v2, $0.0e+00  }
0x127: {  	s16 =	simm.s32 $0x2A80;
	v9 =	vld [tilespmem:s12+$0x50];
	[tilespmem:s12+$0xFFFFFF90] =	vst v0;
	v0 =	vunpack.i.l.bf16.f32 v5  }
0x128: {  	s13 =	simm.s32 $0x280;
	v10 =	vld [tilespmem:s16+$0x0];
	v5 =	vunpack.i.u.bf16.f32 v5;
	v0 =	vadd.f32 v3, v0  }
0x129: {  	v12 =	vld [tilespmem:s13+$0x0];
	v4 =	vadd.f32 v4, v5  }
0x12a: {  	v2 =	vld [tilespmem:s9+$0xFFFFFF90];
	v0 =	vmax.f32 v0, $0.0e+00  }
0x12b: {  	v1 =	vld [tilespmem:s12+$0xFFFFFFA0];
	v4 =	vmax.f32 v4, $0.0e+00;
	[tilespmem:s12+$0x20] =	vst v0  }
0x12c: {  	v13 =	vld [tilespmem:s13+$0x10];
	[tilespmem:s12+$0x30] =	vst v4  }
0x12d: {  	v8 =	vld [tilespmem:s9+$0x20]  }
0x12e: {  	v4 =	vld [tilespmem:s12+$0x40]  }
0x12f: {  	v14 =	vld [tilespmem:s16+$0xFFFFFF80];
	v11 =	vunpack.i.l.bf16.f32 v2;
	v2 =	vunpack.i.u.bf16.f32 v2  }
0x130: {  	v57 =	vld [tilespmem:s13+$0x30];
	v11 =	vadd.f32 v1, v11;
	v2 =	vadd.f32 v6, v2  }
0x131: {  	v58 =	vld [tilespmem:s12+$0x70]  }
0x132: {  	v3 =	vld [tilespmem:s12+$0xFFFFFFC0];
	v11 =	vmax.f32 v11, $0.0e+00;
	v2 =	vmax.f32 v2, $0.0e+00;
	v6 =	vunpack.i.l.bf16.f32 v8  }
0x133: {  	v5 =	vld [tilespmem:s12+$0xFFFFFFD0];
	v8 =	vunpack.i.u.bf16.f32 v8;
	[tilespmem:s12+$0xFFFFFFA0] =	vst v11;
	v11 =	vunpack.i.l.bf16.f32 v10;
	v4 =	vadd.f32 v4, v6  }
0x134: {  	[tilespmem:s12+$0xFFFFFFB0] =	vst v2;
	v2 =	vld [tilespmem:s13+$0xFFFFFF90];
	v8 =	vadd.f32 v9, v8;
	v9 =	vunpack.i.u.bf16.f32 v10;
	v10 =	vadd.f32 v12, v11  }
0x135: {  	v6 =	vld [tilespmem:s13+$0xFFFFFF80];
	v4 =	vmax.f32 v4, $0.0e+00  }
0x136: {  	v0 =	vld [tilespmem:s12+$0xFFFFFFE0];
	v9 =	vadd.f32 v13, v9;
	v10 =	vmax.f32 v10, $0.0e+00;
	[tilespmem:s12+$0x40] =	vst v4  }
0x137: {  	v56 =	vld [tilespmem:s9+$0xFFFFFFA0];
	v4 =	vmax.f32 v8, $0.0e+00;
	[tilespmem:s13+$0x0] =	vst v10  }
0x138: {  	v1 =	vld [tilespmem:s12+$0xFFFFFFF0];
	v9 =	vmax.f32 v9, $0.0e+00;
	v10 =	vunpack.i.u.bf16.f32 v14;
	[tilespmem:s12+$0x50] =	vst v4  }
0x139: {  	v4 =	vunpack.i.l.bf16.f32 v14;
	[tilespmem:s13+$0x10] =	vst v9;
	v2 =	vadd.f32 v2, v10;
	v10 =	vld [tilespmem:s13+$0x20]  }
0x13a: {  	v4 =	vadd.f32 v6, v4;
	v9 =	vld [tilespmem:s16+$0x10]  }
0x13b: {  	v6 =	vld [tilespmem:s9+$0x30];
	v2 =	vmax.f32 v2, $0.0e+00  }
0x13c: {  	v11 =	vld [tilespmem:s13+$0xFFFFFFA0];
	v4 =	vmax.f32 v4, $0.0e+00;
	[tilespmem:s13+$0xFFFFFF90] =	vst v2;
	v2 =	vunpack.i.l.bf16.f32 v56  }
0x13d: {  	v8 =	vld [tilespmem:s13+$0xFFFFFFB0];
	[tilespmem:s13+$0xFFFFFF80] =	vst v4;
	v2 =	vadd.f32 v3, v2  }
0x13e: {  	v4 =	vunpack.i.u.bf16.f32 v56;
	v59 =	vld [tilespmem:s16+$0xFFFFFF90]  }
0x13f: {  	v3 =	vld [tilespmem:s13+$0xFFFFFFC0];
	v5 =	vadd.f32 v5, v4;
	v15 =	vunpack.i.l.bf16.f32 v9;
	v2 =	vmax.f32 v2, $0.0e+00  }
0x140: {  	v4 =	vld [tilespmem:s13+$0xFFFFFFD0];
	v9 =	vunpack.i.u.bf16.f32 v9;
	v60 =	vunpack.i.u.bf16.f32 v6;
	v10 =	vadd.f32 v10, v15  }
0x141: {  	v61 =	vunpack.i.l.bf16.f32 v6;
	v6 =	vld [tilespmem:s13+$0xFFFFFFF0];
	v16 =	vmax.f32 v5, $0.0e+00;
	[tilespmem:s12+$0xFFFFFFC0] =	vst v2;
	v9 =	vadd.f32 v57, v9  }
0x142: {  	v5 =	vld [tilespmem:s13+$0xFFFFFFE0];
	v14 =	vadd.f32 v58, v60;
	[tilespmem:s12+$0xFFFFFFD0] =	vst v16;
	v10 =	vmax.f32 v10, $0.0e+00  }
0x143: {  	v2 =	vld [tilespmem:s13+$0x60];
	v13 =	vadd.f32 v7, v61;
	v9 =	vmax.f32 v9, $0.0e+00;
	v7 =	vunpack.i.l.bf16.f32 v59;
	[tilespmem:s13+$0x20] =	vst v10  }
0x144: {  	v10 =	vmax.f32 v14, $0.0e+00;
	v12 =	vunpack.i.u.bf16.f32 v59;
	[tilespmem:s13+$0x30] =	vst v9;
	v11 =	vadd.f32 v11, v7;
	v7 =	vld [tilespmem:s9+$0xFFFFFFB0]  }
0x145: {  	v62 =	vmax.f32 v13, $0.0e+00;
	[tilespmem:s12+$0x70] =	vst v10;
	v10 =	vadd.f32 v8, v12;
	v8 =	vld [tilespmem:s13+$0x40]  }
0x146: {  	[tilespmem:s12+$0x60] =	vst v62;
	v9 =	vld [tilespmem:s16+$0x20];
	v63 =	vmax.f32 v11, $0.0e+00  }
0x147: {  	s17 =	simm.s32 $0x2;
	s18 =	simm.s32 $0x2B80;
	s9 =	simm.s32 $0x280;
	v11 =	vmax.f32 v10, $0.0e+00;
	v10 =	vld [tilespmem:s13+$0x50];
	[tilespmem:s13+$0xFFFFFFA0] =	vst v63  }
.LBB2_8:
0x148: {  	v12 =	vld [tilespmem:s18+$0x0];
	[tilespmem:s13+$0xFFFFFFB0] =	vst v11;
	s9 =	sadd.s32 $0x100, s9  }
0x149: {  	v11 =	vld [tilespmem:s9+$0x0];
	v13 =	vunpack.i.u.bf16.f32 v7;
	v7 =	vunpack.i.l.bf16.f32 v7  }
0x14a: {  	v14 =	vld [tilespmem:s9+$0x10];
	v7 =	vadd.f32 v0, v7;
	v13 =	vadd.f32 v1, v13;
	v0 =	vmovc v5;
	v1 =	vmov v6  }
0x14b: {  	s17 =	sadd.s32 $0x2, s17;
	v5 =	vld [tilespmem:s18+$0xFFFFFF80];
	v6 =	vunpack.i.l.bf16.f32 v9  }
0x14c: {  	p1 =	slt.u32 s17, $0x4E;
	v9 =	vunpack.i.u.bf16.f32 v9;
	v15 =	vld [tilespmem:s9+$0xFFFFFF80];
	v6 =	vadd.f32 v8, v6;
	v7 =	vmax.f32 v7, $0.0e+00  }
0x14d: {  	v9 =	vadd.f32 v10, v9;
	v8 =	vld [tilespmem:s9+$0xFFFFFF90];
	v16 =	vunpack.i.l.bf16.f32 v12;
	[tilespmem:s12+$0xFFFFFFE0] =	vst v7;
	v7 =	vmax.f32 v13, $0.0e+00  }
0x14e: {  	v12 =	vunpack.i.u.bf16.f32 v12;
	v10 =	vld [tilespmem:s9+$0xFFFFFFA0];
	v11 =	vadd.f32 v11, v16;
	v6 =	vmax.f32 v6, $0.0e+00;
	[tilespmem:s12+$0xFFFFFFF0] =	vst v7;
	s12 =	smov.u32 s13;
	s13 =	smov.u32 s9  }
0x14f: {  	v7 =	vld [tilespmem:s9+$0xFFFFFFB0];
	v12 =	vadd.f32 v14, v12;
	[tilespmem:s12+$0x40] =	vst v6;
	v6 =	vmax.f32 v9, $0.0e+00  }
0x150: {  	v9 =	vunpack.i.u.bf16.f32 v5;
	v5 =	vunpack.i.l.bf16.f32 v5;
	v11 =	vmax.f32 v11, $0.0e+00;
	v13 =	vld [tilespmem:s16+$0xFFFFFFA0];
	[tilespmem:s12+$0x50] =	vst v6  }
0x151: {  	v5 =	vadd.f32 v15, v5;
	[tilespmem:s9+$0x0] =	vst v11;
	v6 =	vmax.f32 v12, $0.0e+00;
	v11 =	vld [tilespmem:s16+$0x30]  }
0x152: {  	v8 =	vadd.f32 v8, v9;
	[tilespmem:s9+$0x10] =	vst v6;
	v6 =	vld [tilespmem:s12+$0x70]  }
0x153: {  	v5 =	vmax.f32 v5, $0.0e+00;
	v9 =	vld [tilespmem:s18+$0x10]  }
0x154: {  	[tilespmem:s9+$0xFFFFFF80] =	vst v5;
	v5 =	vmax.f32 v8, $0.0e+00;
	v8 =	vld [tilespmem:s9+$0x20]  }
0x155: {  	[tilespmem:s9+$0xFFFFFF90] =	vst v5;
	v12 =	vld [tilespmem:s9+$0x30];
	v5 =	vunpack.i.u.bf16.f32 v13;
	v13 =	vunpack.i.l.bf16.f32 v13  }
0x156: {  	v14 =	vld [tilespmem:s18+$0xFFFFFF90];
	v13 =	vadd.f32 v3, v13;
	v5 =	vadd.f32 v4, v5;
	v4 =	vunpack.i.u.bf16.f32 v11  }
0x157: {  	v11 =	vunpack.i.l.bf16.f32 v11;
	v3 =	vld [tilespmem:s9+$0xFFFFFFC0];
	v6 =	vadd.f32 v6, v4  }
0x158: {  	v4 =	vld [tilespmem:s9+$0xFFFFFFD0];
	v15 =	vunpack.i.l.bf16.f32 v9;
	v13 =	vmax.f32 v13, $0.0e+00;
	v16 =	vmax.f32 v5, $0.0e+00  }
0x159: {  	v9 =	vunpack.i.u.bf16.f32 v9;
	v5 =	vld [tilespmem:s9+$0xFFFFFFE0];
	v8 =	vadd.f32 v8, v15;
	[tilespmem:s12+$0xFFFFFFC0] =	vst v13;
	v13 =	vmax.f32 v6, $0.0e+00  }
0x15a: {  	v11 =	vadd.f32 v2, v11;
	v6 =	vld [tilespmem:s9+$0xFFFFFFF0];
	v9 =	vadd.f32 v12, v9;
	[tilespmem:s12+$0x70] =	vst v13  }
.Ltmp3:
0x15b: {  	v12 =	vunpack.i.u.bf16.f32 v14;
	v13 =	vunpack.i.l.bf16.f32 v14;
	v8 =	vmax.f32 v8, $0.0e+00;
	v2 =	vld [tilespmem:s9+$0x60];
	[tilespmem:s12+$0xFFFFFFD0] =	vst v16;
	(pc) =	sbr.rel @p1 .LBB2_8-.Ltmp3, $4  }
0x15c: {  	v10 =	vadd.f32 v10, v13;
	v12 =	vadd.f32 v7, v12;
	[tilespmem:s9+$0x20] =	vst v8;
	v8 =	vmax.f32 v9, $0.0e+00;
	v7 =	vld [tilespmem:s16+$0xFFFFFFB0];
	s16 =	smov.u32 s18  }
0x15d: {  	v13 =	vmax.f32 v11, $0.0e+00;
	[tilespmem:s9+$0x30] =	vst v8;
	v8 =	vld [tilespmem:s9+$0x40]  }
0x15e: {  	v10 =	vmax.f32 v10, $0.0e+00;
	v11 =	vmax.f32 v12, $0.0e+00;
	v9 =	vld [tilespmem:s18+$0x20];
	[tilespmem:s12+$0x60] =	vst v13  }
0x15f: {  	s18 =	sadd.s32 $0x100, s18;
	[tilespmem:s9+$0xFFFFFFA0] =	vst v10;
	v10 =	vld [tilespmem:s9+$0x50]  }
0x160: {  	[tilespmem:s13+$0xFFFFFFB0] =	vst v11  }
0x161: {  	v11 =	vld [tilespmem:s16+$0xFFFFFFA0];
	_ =	sdelay $0x2  }
0x162: {  	v12 =	vunpack.i.l.bf16.f32 v9  }
0x163: {  	v48 =	vunpack.i.u.bf16.f32 v9;
	v8 =	vadd.f32 v8, v12  }
0x164: {  	v9 =	vadd.f32 v10, v48;
	v49 =	vunpack.i.l.bf16.f32 v11  }
0x165: {  	v8 =	vmax.f32 v8, $0.0e+00;
	v11 =	vunpack.i.u.bf16.f32 v11;
	v3 =	vadd.f32 v3, v49  }
0x166: {  	v50 =	vmax.f32 v9, $0.0e+00;
	[tilespmem:s13+$0x40] =	vst v8;
	v4 =	vadd.f32 v4, v11  }
0x167: {  	[tilespmem:s13+$0x50] =	vst v50;
	v3 =	vmax.f32 v3, $0.0e+00  }
0x168: {  	v8 =	vld [tilespmem:s16+$0x30];
	v4 =	vmax.f32 v4, $0.0e+00;
	[tilespmem:s13+$0xFFFFFFC0] =	vst v3  }
0x169: {  	v51 =	vld [tilespmem:s13+$0x70];
	[tilespmem:s13+$0xFFFFFFD0] =	vst v4  }
0x16a: {  	v4 =	vld [tilespmem:s16+$0xFFFFFFB0]  }
0x16b: {  	v52 =	vunpack.i.l.bf16.f32 v7  }
0x16c: {  	v53 =	vunpack.i.u.bf16.f32 v7;
	v0 =	vadd.f32 v0, v52  }
0x16d: {  	v1 =	vadd.f32 v1, v53;
	v54 =	vunpack.i.u.bf16.f32 v8  }
0x16e: {  	v0 =	vmax.f32 v0, $0.0e+00;
	v8 =	vunpack.i.l.bf16.f32 v8;
	v3 =	vadd.f32 v51, v54  }
0x16f: {  	v55 =	vmax.f32 v1, $0.0e+00;
	[tilespmem:s12+$0xFFFFFFE0] =	vst v0;
	v56 =	vadd.f32 v2, v8;
	v57 =	vunpack.i.l.bf16.f32 v4  }
0x170: {  	[tilespmem:s12+$0xFFFFFFF0] =	vst v55;
	v58 =	vmax.f32 v3, $0.0e+00;
	v59 =	vunpack.i.u.bf16.f32 v4;
	v2 =	vadd.f32 v5, v57  }
0x171: {  	v60 =	vmax.f32 v56, $0.0e+00;
	[tilespmem:s13+$0x70] =	vst v58;
	v61 =	vadd.f32 v6, v59  }
0x172: {  	[tilespmem:s13+$0x60] =	vst v60;
	v62 =	vmax.f32 v2, $0.0e+00  }
0x173: {  	v63 =	vmax.f32 v61, $0.0e+00;
	[tilespmem:s13+$0xFFFFFFE0] =	vst v62  }
0x174: {  	[tilespmem:s13+$0xFFFFFFF0] =	vst v63  }
0x175: {  	[spmem:s3] =	stream.indirect.scatter.add.f32 [tilespmem:s23], [sflag:$0x5], $0x80, s21, s22, $0xb8;
	[tilespmem:$0x1DE00] =	vst v63  }
0x176: {  	_ =	swait.ge [sflag:s20], $0x2800  }
0x177: {  	[sflag:s20] =	ssyncset.done $0x0  }
0x178: {  	[sflag:s20] =	ssyncadd.s32 $0xFFFFD800  }
0x179: {  	[bflag:$0x0] =	sbarrier.arrive $0xFFFF  }
0x17a: {  	s9 =	rddreg [dreg:$0xb]  }
0x17b: {  	s12 =	rddreg [dreg:$0xe]  }
0x17c: {  	[hbm:s9], [sflag:s10] =	dma.local @p0 [spmem:s12], $0x2080  }
0x17d: {  	s9 =	simm.s32 @p0 $0x5  }
0x17e: {  	_ =	swait.ge @p0 [sflag:s9], $0x2080  }
0x17f: {  	[sflag:s9] =	ssyncset.done @p0 $0x0  }
0x180: {  	[sflag:s9] =	ssyncadd.s32 @p0 $0xFFFFDF80;
	s9 =	rddreg [dreg:$0x6]  }
0x181: {  	s12 =	rddreg [dreg:$0xa];
	s9 =	sshrl.u32 @!p0 s9, $0x3  }
0x182: {  	[hbm:s12], [sflag:s10] =	dma.local @!p0 [spmem:s9], $0x2780  }
0x183: {  	s9 =	simm.s32 @!p0 $0x5  }
0x184: {  	_ =	swait.ge @!p0 [sflag:s9], $0x2780  }
0x185: {  	s11 =	sadd.s32 $0x1, s11;
	s25 =	rddreg [dreg:$0xc]  }
0x186: {  	p1 =	sne.s32 s11, s25  }
.Ltmp4:
0x187: {  	_ = 	snop;
	(pc) =	sbr.rel @p1 .LBB2_1-.Ltmp4, $3  }
0x188: {  	_ =	sdelay $0x1  }
0x189: {  	[sflag:s9] =	ssyncset.done @!p0 $0x0  }
0x18a: {  	[sflag:s9] =	ssyncadd.s32 @!p0 $0xFFFFD880  }
0x18b: {  	_ =	sfence.sel $0x180000  }
0x18c: {  	[bflag:$0x0] =	sbarrier.arrive $0xFFFF  }
0x18d: {  	_ =	strace $0x90000047  }
0x18e: {  	s0 =	stileid.u32;
	[bflag:$0x2] =	sbarrier.arrive $0xFFFF  }
0x18f: {  	p0 =	sne.s32 s0, $0x0;
	s0 =	rddreg [dreg:$0x4]  }
0x190: {  	s0 =	sadd.s32 @!p0 $0x100000, s0  }
0x191: {  	[sflag:s0] =	ssyncadd.tile.s32 @!p0 $0x1;
	_ =	shalt  }
.Lfunc_end2:
_tile_overlayer_lowered:
.L_overlay_start_2:
0x192: {  	(tag) =	ssettag $0x2  }
0x193: {  	s0 =	rddreg [dreg:$0x0];
	s2 =	stileid.u32  }
0x194: {  	s1 =	rddreg [dreg:$0x1];
	p0 =	sne.s32 s2, $0x0  }
0x195: {  	s3 =	rddreg [dreg:$0x2];
	[bflag:$0x3] =	sbarrier.arrive $0xFFFF;
	s2 =	simm.s32 @!p0 $0x1C05  }
0x196: {  	[timem:s3], [sflag:s2] =	dma.local @!p0 [hbm:s0], s1  }
0x197: {  	s0 =	simm.s32 @!p0 $0x5  }
0x198: {  	_ =	swait.ge @!p0 [sflag:s0], s1  }
0x199: {  	s1 =	ssub.s32 @!p0 $0x0, s1;
	[sflag:s0] =	ssyncset.done @!p0 $0x0  }
0x19a: {  	[sflag:s0] =	ssyncadd.s32 @!p0 s1  }
0x19b: {  	[bflag:$0x3] =	sbarrier.arrive $0xFFFF  }
0x19c: {  	_ =	shalt  }

</sc_bundles>
